<compile_context>
chip_gen: v7x
topology: tpu7x:2x2x1
jax: 0.10.2.dev20260603
libtpu: 0.0.44.dev20260713+nightly
codegen_flags: <defaults>
</compile_context>

<pallas_src>
import functools

import jax
import jax.numpy as jnp
from jax import lax
from jax.experimental import pallas as pl
from jax.experimental.pallas import tpu as pltpu
from jax.experimental.pallas import tpu_sc as plsc

ACT = 100000
NTILES = 32
ROWS_PT = 3128
LAST_ROWS = ACT - ROWS_PT * (NTILES - 1)
BUF_ROWS = 3136
NEG = -1.0e30
BIG = 1.0e9


def _rne_bf16(v):
    u = lax.bitcast_convert_type(v, jnp.int32)
    r = (u + jnp.int32(0x7FFF) + ((u >> 16) & 1)) & jnp.int32(-65536)
    return lax.bitcast_convert_type(r, jnp.float32)


def _mlp_body(obs_ref, w1_ref, b1_ref, w2_ref, b2_ref, a4_ref, hb_ref):
    obs = obs_ref[...]
    x1 = lax.dot_general(obs, w1_ref[...], (((1,), (1,)), ((), ())),
                         preferred_element_type=jnp.float32)
    x1 = jnp.maximum(x1 + b1_ref[...], 0.0)
    x2 = lax.dot_general(x1, w2_ref[...], (((1,), (1,)), ((), ())),
                         preferred_element_type=jnp.float32)
    x2 = jnp.maximum(x2 + b2_ref[...], 0.0)
    x2 = _rne_bf16(x2)
    rowi = lax.broadcasted_iota(jnp.int32, (4, 16), 0)
    hb = jnp.where(rowi == 0, x2[0, 0],
                   jnp.where(rowi == 1, x2[0, 1],
                             jnp.where(rowi == 2, x2[0, 2], a4_ref[0, 0])))
    hb_ref[...] = hb


def _sc_body(w3_hbm, b3_hbm, hb_hbm, out_hbm, wbuf, bbuf, zbuf, hbuf, ovec,
             sem):
    cid = lax.axis_index("c")
    sid = lax.axis_index("s")
    wid = sid * 2 + cid
    base = wid * ROWS_PT
    last = wid == NTILES - 1

    @pl.when(jnp.logical_not(last))
    def _():
        for c in range(3):
            pltpu.async_copy(w3_hbm.at[pl.ds(c * ACT + base, ROWS_PT)],
                             wbuf.at[pl.ds(c * BUF_ROWS, ROWS_PT)], sem)
        pltpu.async_copy(b3_hbm.at[pl.ds(base, ROWS_PT)],
                         bbuf.at[pl.ds(0, ROWS_PT)], sem)

    @pl.when(last)
    def _():
        for c in range(3):
            pltpu.async_copy(w3_hbm.at[pl.ds(c * ACT + base, LAST_ROWS)],
                             wbuf.at[pl.ds(c * BUF_ROWS, LAST_ROWS)], sem)
        pltpu.async_copy(b3_hbm.at[pl.ds(base, LAST_ROWS)],
                         bbuf.at[pl.ds(0, LAST_ROWS)], sem)

    pltpu.sync_copy(hb_hbm, hbuf)

    h0 = hbuf[pl.ds(0, 16)]
    h1 = hbuf[pl.ds(16, 16)]
    h2 = hbuf[pl.ds(32, 16)]
    a4v = hbuf[pl.ds(48, 16)]

    nrows = jnp.where(last, LAST_ROWS, ROWS_PT)

    lane = lax.iota(jnp.int32, 16)
    lanef = lane.astype(jnp.float32)
    basef = base.astype(jnp.float32)
    basev = basef + lanef

    @pl.when(jnp.logical_not(last))
    def _():
        for c in range(3):
            pltpu.make_async_copy(w3_hbm.at[pl.ds(c * ACT + base, ROWS_PT)],
                                  wbuf.at[pl.ds(c * BUF_ROWS, ROWS_PT)],
                                  sem).wait()
        pltpu.make_async_copy(b3_hbm.at[pl.ds(base, ROWS_PT)],
                              bbuf.at[pl.ds(0, ROWS_PT)], sem).wait()

    @pl.when(last)
    def _():
        for c in range(3):
            pltpu.make_async_copy(w3_hbm.at[pl.ds(c * ACT + base, LAST_ROWS)],
                                  wbuf.at[pl.ds(c * BUF_ROWS, LAST_ROWS)],
                                  sem).wait()
        pltpu.make_async_copy(b3_hbm.at[pl.ds(base, LAST_ROWS)],
                              bbuf.at[pl.ds(0, LAST_ROWS)], sem).wait()

    def _z_at(i):
        o = i * 16
        w0 = wbuf[pl.ds(o, 16)]
        w1 = wbuf[pl.ds(BUF_ROWS + o, 16)]
        w2 = wbuf[pl.ds(2 * BUF_ROWS + o, 16)]
        bv = bbuf[pl.ds(o, 16)]
        return w0 * h0 + w1 * h1 + w2 * h2 + bv

    nfull = nrows // 16

    z0 = _z_at(0)
    z0 = jnp.where(base + lane < 2, z0 * a4v, z0)
    zbuf[pl.ds(0, 16)] = z0

    def _p1(i, mv):
        z = _z_at(i)
        zbuf[pl.ds(i * 16, 16)] = z
        return jnp.maximum(mv, z)

    mv = lax.fori_loop(1, nfull, _p1, z0)

    zt = _z_at(nfull)
    zt = jnp.where(lane < 8, zt, NEG)
    zbuf[pl.ds(nfull * 16, 16)] = zt
    mv = jnp.maximum(mv, zt)

    m_t = jnp.max(mv)
    mb = jnp.broadcast_to(m_t, (16,))

    def _p2(i, carry):
        sv, av, iv = carry
        z = zbuf[pl.ds(i * 16, 16)]
        e = jnp.exp(z - mb)
        sv = sv + e
        av = av + z * e
        growf = basev + (i * 16).astype(jnp.float32)
        iv = jnp.minimum(iv, jnp.where(z == mb, growf, BIG))
        return (sv, av, iv)

    zero = jnp.zeros((16,), jnp.float32)
    sv, av, iv = lax.fori_loop(0, nfull + 1, _p2,
                               (zero, zero, jnp.full((16,), BIG, jnp.float32)))

    s_t = jnp.sum(sv)
    a_t = jnp.sum(av)
    i_t = jnp.min(iv)

    out = jnp.where(lane == 0, m_t,
                    jnp.where(lane == 1, i_t,
                              jnp.where(lane == 2, s_t,
                                        jnp.where(lane == 3, a_t, 0.0))))
    ovec[...] = out
    pltpu.sync_copy(ovec, out_hbm.at[wid])


def _merge_body(part_ref, a_ref, logp_ref, ent_ref):
    part = part_ref[...]
    m_t = part[:, 0:1]
    idx = part[:, 1:2]
    s_t = part[:, 2:3]
    a_t = part[:, 3:4]
    m_g = jnp.max(m_t)
    w = jnp.exp(m_t - m_g)
    z = jnp.sum(s_t * w)
    za = jnp.sum(a_t * w)
    amax = jnp.min(jnp.where(m_t == m_g, idx, 2.0 * BIG))
    logz = jnp.log(z)
    a_ref[...] = jnp.broadcast_to(amax, (1, 1)).astype(jnp.int32)
    logp_ref[...] = jnp.broadcast_to(-logz, (1, 1))
    ent_ref[...] = jnp.broadcast_to(m_g + logz - za / z, (1, 1))


def _sc_call():
    return functools.partial(
        pl.kernel,
        out_type=jax.ShapeDtypeStruct((NTILES, 16), jnp.float32),
        mesh=plsc.VectorSubcoreMesh(core_axis_name="c", subcore_axis_name="s",
                                    num_cores=2, num_subcores=16),
        scratch_types=[
            pltpu.VMEM((3 * BUF_ROWS,), jnp.float32),
            pltpu.VMEM((BUF_ROWS,), jnp.float32),
            pltpu.VMEM((BUF_ROWS,), jnp.float32),
            pltpu.VMEM((64,), jnp.float32),
            pltpu.VMEM((16,), jnp.float32),
            pltpu.SemaphoreType.DMA,
        ],
        compiler_params=pltpu.CompilerParams(needs_layout_passes=False),
    )


def kernel(obs, W1, b1, W2, b2, W3, b3, a4):
    hb = pl.pallas_call(
        _mlp_body,
        out_shape=jax.ShapeDtypeStruct((4, 16), jnp.float32),
    )(obs, W1, b1.reshape(1, 3), W2, b2.reshape(1, 3), a4.reshape(1, 1))

    w3c = _rne_bf16(W3.T).reshape(-1)
    part = _sc_call()(_sc_body)(w3c, b3, hb.reshape(-1))

    a, logp, ent = pl.pallas_call(
        _merge_body,
        out_shape=(
            jax.ShapeDtypeStruct((1, 1), jnp.int32),
            jax.ShapeDtypeStruct((1, 1), jnp.float32),
            jax.ShapeDtypeStruct((1, 1), jnp.float32),
        ),
    )(part)
    return (a.reshape(()), logp.reshape(1), ent.reshape(1))

# --- scband reference (transcript-rebuilt; emitter-appended) ---
"""Pipeline reference for scband-not-classic-actor-79706003079754 (READ-ONLY COPY).

The authoritative reference and input builder live on the scoring server;
editing this copy changes nothing except your own understanding.
"""

import jax, jax.numpy as jnp
import numpy as np

INP_SIZE = 4096
ACT_SIZE = 100000

def setup_inputs(seed: int = 0) -> dict:
    key = jax.random.key(seed)
    ks = jax.random.split(key, 8)
    obs = jax.random.normal(ks[0], (1, INP_SIZE), dtype=jnp.float32)
    lim1 = 1.0 / np.sqrt(INP_SIZE)
    W1 = jax.random.uniform(ks[1], (3, INP_SIZE), minval=-lim1, maxval=lim1, dtype=jnp.float32)
    b1 = jax.random.uniform(ks[2], (3,), minval=-lim1, maxval=lim1, dtype=jnp.float32)
    lim2 = 1.0 / np.sqrt(3.0)
    W2 = jax.random.uniform(ks[3], (3, 3), minval=-lim2, maxval=lim2, dtype=jnp.float32)
    b2 = jax.random.uniform(ks[4], (3,), minval=-lim2, maxval=lim2, dtype=jnp.float32)
    W3 = jax.random.uniform(ks[5], (ACT_SIZE, 3), minval=-lim2, maxval=lim2, dtype=jnp.float32)
    b3 = jax.random.uniform(ks[6], (ACT_SIZE,), minval=-lim2, maxval=lim2, dtype=jnp.float32)
    a4 = jnp.asarray(0.5, dtype=jnp.float32)
    return {"obs": obs, "W1": W1, "b1": b1, "W2": W2, "b2": b2, "W3": W3, "b3": b3, "a4": a4}

def reference(obs, W1, b1, W2, b2, W3, b3, a4):
    x = jax.nn.relu(obs @ W1.T + b1)
    x = jax.nn.relu(x @ W2.T + b2)
    logits = x @ W3.T + b3
    # in-place scaling of logits[0][0] and logits[0][1] by learned a4
    logits = logits.at[0, 0].multiply(a4)
    logits = logits.at[0, 1].multiply(a4)
    logp_all = jax.nn.log_softmax(logits, axis=-1)
    probs = jnp.exp(logp_all)
    # deterministic=True path: a = argmax(pi.probs) over the flattened tensor
    a = jnp.argmax(probs)
    logp = logp_all.reshape(-1)[a].reshape(1)  # Categorical.log_prob -> shape [1]
    entropy = -jnp.sum(probs * logp_all, axis=-1)  # shape [1]
    return (a.astype(jnp.int32), logp, entropy)

if __name__ == "__main__":
    import jax
    _d = setup_inputs()
    print(jax.jit(kernel)(*tuple(_d.values())))

</pallas_src>

<mosaic_0001>
#map = affine_map<(d0, d1) -> (0)>
#map1 = affine_map<(d0, d1) -> (0, 0)>
module attributes {stable_mosaic.version = 14 : i64} {
  func.func @_sc_body(%arg0: i32, %arg1: i32, %arg2: memref<300000xf32, #tpu.memory_space<hbm>>, %arg3: memref<100000xf32, #tpu.memory_space<hbm>>, %arg4: memref<64xf32, #tpu.memory_space<hbm>>, %arg5: memref<32x16xf32, #tpu.memory_space<hbm>>, %arg6: memref<9408xf32, #tpu.memory_space<vmem>>, %arg7: memref<3136xf32, #tpu.memory_space<vmem>>, %arg8: memref<3136xf32, #tpu.memory_space<vmem>>, %arg9: memref<64xf32, #tpu.memory_space<vmem>>, %arg10: memref<16xf32, #tpu.memory_space<vmem>>, %arg11: memref<!tpu.dma_semaphore, #tpu.memory_space<semaphore_mem>>) attributes {dimension_semantics = [#tpu.dimension_semantics<core_parallel>, #tpu.dimension_semantics<subcore_parallel>], iteration_bounds = array<i64: 2, 16>, scalar_prefetch = 0 : i64, scratch_operands = 6 : i64, tpu.core_type = #tpu.core_type<sc_vector_subcore>, window_params = [{transform_indices = #map}, {transform_indices = #map}, {transform_indices = #map}, {transform_indices = #map1}]} {
    %mul3A = arith.constant 2 : i32
    %mul3A_0 = arith.muli %arg1, %mul3A : i32
    %add3A = arith.addi %mul3A_0, %arg0 : i32
    %mul3A_1 = arith.constant 3128 : i32
    %mul3A_2 = arith.muli %add3A, %mul3A_1 : i32
    %eq3A = arith.constant 31 : i32
    %eq3A_3 = arith.cmpi eq, %add3A, %eq3A : i32
    %not3A = arith.constant true
    %not3A_4 = arith.xori %eq3A_3, %not3A : i1
    %convert_element_type3A = arith.extui %not3A_4 : i1 to i32
    %cond3A = arith.constant 0 : i32
    %cond3A_5 = arith.cmpi ne, %convert_element_type3A, %cond3A : i32
    scf.if %cond3A_5 {
      %add3A_162 = arith.constant 0 : i32
      %add3A_163 = arith.addi %add3A_162, %mul3A_2 : i32
      %dma_start3A = arith.constant 0 : i32
      %dma_start3A_164 = tpu.memref_slice %arg6[%dma_start3A] : memref<9408xf32, #tpu.memory_space<vmem>> -> memref<3128xf32, #tpu.memory_space<vmem>>
      %dma_start3A_165 = tpu.memref_slice %arg2[%add3A_163] : memref<300000xf32, #tpu.memory_space<hbm>> -> memref<3128xf32, #tpu.memory_space<hbm>>
      %dma_start3A_166 = arith.constant 0 : i32
      %dma_start3A_167 = tpu.memref_slice %arg6[%dma_start3A_166] : memref<9408xf32, #tpu.memory_space<vmem>> -> memref<3128xf32, #tpu.memory_space<vmem>>
      %dma_start3A_168 = tpu.memref_slice %arg2[%add3A_163] : memref<300000xf32, #tpu.memory_space<hbm>> -> memref<3128xf32, #tpu.memory_space<hbm>>
      tpu.enqueue_dma source(%dma_start3A_168 : memref<3128xf32, #tpu.memory_space<hbm>>) target(%dma_start3A_167 : memref<3128xf32, #tpu.memory_space<vmem>>) target_semaphore(%arg11 : memref<!tpu.dma_semaphore, #tpu.memory_space<semaphore_mem>>)
      %add3A_169 = arith.constant 100000 : i32
      %add3A_170 = arith.addi %add3A_169, %mul3A_2 : i32
      %dma_start3A_171 = arith.constant 3136 : i32
      %dma_start3A_172 = tpu.memref_slice %arg6[%dma_start3A_171] : memref<9408xf32, #tpu.memory_space<vmem>> -> memref<3128xf32, #tpu.memory_space<vmem>>
      %dma_start3A_173 = tpu.memref_slice %arg2[%add3A_170] : memref<300000xf32, #tpu.memory_space<hbm>> -> memref<3128xf32, #tpu.memory_space<hbm>>
      %dma_start3A_174 = arith.constant 3136 : i32
      %dma_start3A_175 = tpu.memref_slice %arg6[%dma_start3A_174] : memref<9408xf32, #tpu.memory_space<vmem>> -> memref<3128xf32, #tpu.memory_space<vmem>>
      %dma_start3A_176 = tpu.memref_slice %arg2[%add3A_170] : memref<300000xf32, #tpu.memory_space<hbm>> -> memref<3128xf32, #tpu.memory_space<hbm>>
      tpu.enqueue_dma source(%dma_start3A_176 : memref<3128xf32, #tpu.memory_space<hbm>>) target(%dma_start3A_175 : memref<3128xf32, #tpu.memory_space<vmem>>) target_semaphore(%arg11 : memref<!tpu.dma_semaphore, #tpu.memory_space<semaphore_mem>>)
      %add3A_177 = arith.constant 200000 : i32
      %add3A_178 = arith.addi %add3A_177, %mul3A_2 : i32
      %dma_start3A_179 = arith.constant 6272 : i32
      %dma_start3A_180 = tpu.memref_slice %arg6[%dma_start3A_179] : memref<9408xf32, #tpu.memory_space<vmem>> -> memref<3128xf32, #tpu.memory_space<vmem>>
      %dma_start3A_181 = tpu.memref_slice %arg2[%add3A_178] : memref<300000xf32, #tpu.memory_space<hbm>> -> memref<3128xf32, #tpu.memory_space<hbm>>
      %dma_start3A_182 = arith.constant 6272 : i32
      %dma_start3A_183 = tpu.memref_slice %arg6[%dma_start3A_182] : memref<9408xf32, #tpu.memory_space<vmem>> -> memref<3128xf32, #tpu.memory_space<vmem>>
      %dma_start3A_184 = tpu.memref_slice %arg2[%add3A_178] : memref<300000xf32, #tpu.memory_space<hbm>> -> memref<3128xf32, #tpu.memory_space<hbm>>
      tpu.enqueue_dma source(%dma_start3A_184 : memref<3128xf32, #tpu.memory_space<hbm>>) target(%dma_start3A_183 : memref<3128xf32, #tpu.memory_space<vmem>>) target_semaphore(%arg11 : memref<!tpu.dma_semaphore, #tpu.memory_space<semaphore_mem>>)
      %dma_start3A_185 = arith.constant 0 : i32
      %dma_start3A_186 = tpu.memref_slice %arg7[%dma_start3A_185] : memref<3136xf32, #tpu.memory_space<vmem>> -> memref<3128xf32, #tpu.memory_space<vmem>>
      %dma_start3A_187 = tpu.memref_slice %arg3[%mul3A_2] : memref<100000xf32, #tpu.memory_space<hbm>> -> memref<3128xf32, #tpu.memory_space<hbm>>
      %dma_start3A_188 = arith.constant 0 : i32
      %dma_start3A_189 = tpu.memref_slice %arg7[%dma_start3A_188] : memref<3136xf32, #tpu.memory_space<vmem>> -> memref<3128xf32, #tpu.memory_space<vmem>>
      %dma_start3A_190 = tpu.memref_slice %arg3[%mul3A_2] : memref<100000xf32, #tpu.memory_space<hbm>> -> memref<3128xf32, #tpu.memory_space<hbm>>
      tpu.enqueue_dma source(%dma_start3A_190 : memref<3128xf32, #tpu.memory_space<hbm>>) target(%dma_start3A_189 : memref<3128xf32, #tpu.memory_space<vmem>>) target_semaphore(%arg11 : memref<!tpu.dma_semaphore, #tpu.memory_space<semaphore_mem>>)
    } else {
    }
    %convert_element_type3A_6 = arith.extui %eq3A_3 : i1 to i32
    %cond3A_7 = arith.constant 0 : i32
    %cond3A_8 = arith.cmpi ne, %convert_element_type3A_6, %cond3A_7 : i32
    scf.if %cond3A_8 {
      %add3A_162 = arith.constant 0 : i32
      %add3A_163 = arith.addi %add3A_162, %mul3A_2 : i32
      %dma_start3A = arith.constant 0 : i32
      %dma_start3A_164 = tpu.memref_slice %arg6[%dma_start3A] : memref<9408xf32, #tpu.memory_space<vmem>> -> memref<3032xf32, #tpu.memory_space<vmem>>
      %dma_start3A_165 = tpu.memref_slice %arg2[%add3A_163] : memref<300000xf32, #tpu.memory_space<hbm>> -> memref<3032xf32, #tpu.memory_space<hbm>>
      %dma_start3A_166 = arith.constant 0 : i32
      %dma_start3A_167 = tpu.memref_slice %arg6[%dma_start3A_166] : memref<9408xf32, #tpu.memory_space<vmem>> -> memref<3032xf32, #tpu.memory_space<vmem>>
      %dma_start3A_168 = tpu.memref_slice %arg2[%add3A_163] : memref<300000xf32, #tpu.memory_space<hbm>> -> memref<3032xf32, #tpu.memory_space<hbm>>
      tpu.enqueue_dma source(%dma_start3A_168 : memref<3032xf32, #tpu.memory_space<hbm>>) target(%dma_start3A_167 : memref<3032xf32, #tpu.memory_space<vmem>>) target_semaphore(%arg11 : memref<!tpu.dma_semaphore, #tpu.memory_space<semaphore_mem>>)
      %add3A_169 = arith.constant 100000 : i32
      %add3A_170 = arith.addi %add3A_169, %mul3A_2 : i32
      %dma_start3A_171 = arith.constant 3136 : i32
      %dma_start3A_172 = tpu.memref_slice %arg6[%dma_start3A_171] : memref<9408xf32, #tpu.memory_space<vmem>> -> memref<3032xf32, #tpu.memory_space<vmem>>
      %dma_start3A_173 = tpu.memref_slice %arg2[%add3A_170] : memref<300000xf32, #tpu.memory_space<hbm>> -> memref<3032xf32, #tpu.memory_space<hbm>>
      %dma_start3A_174 = arith.constant 3136 : i32
      %dma_start3A_175 = tpu.memref_slice %arg6[%dma_start3A_174] : memref<9408xf32, #tpu.memory_space<vmem>> -> memref<3032xf32, #tpu.memory_space<vmem>>
      %dma_start3A_176 = tpu.memref_slice %arg2[%add3A_170] : memref<300000xf32, #tpu.memory_space<hbm>> -> memref<3032xf32, #tpu.memory_space<hbm>>
      tpu.enqueue_dma source(%dma_start3A_176 : memref<3032xf32, #tpu.memory_space<hbm>>) target(%dma_start3A_175 : memref<3032xf32, #tpu.memory_space<vmem>>) target_semaphore(%arg11 : memref<!tpu.dma_semaphore, #tpu.memory_space<semaphore_mem>>)
      %add3A_177 = arith.constant 200000 : i32
      %add3A_178 = arith.addi %add3A_177, %mul3A_2 : i32
      %dma_start3A_179 = arith.constant 6272 : i32
      %dma_start3A_180 = tpu.memref_slice %arg6[%dma_start3A_179] : memref<9408xf32, #tpu.memory_space<vmem>> -> memref<3032xf32, #tpu.memory_space<vmem>>
      %dma_start3A_181 = tpu.memref_slice %arg2[%add3A_178] : memref<300000xf32, #tpu.memory_space<hbm>> -> memref<3032xf32, #tpu.memory_space<hbm>>
      %dma_start3A_182 = arith.constant 6272 : i32
      %dma_start3A_183 = tpu.memref_slice %arg6[%dma_start3A_182] : memref<9408xf32, #tpu.memory_space<vmem>> -> memref<3032xf32, #tpu.memory_space<vmem>>
      %dma_start3A_184 = tpu.memref_slice %arg2[%add3A_178] : memref<300000xf32, #tpu.memory_space<hbm>> -> memref<3032xf32, #tpu.memory_space<hbm>>
      tpu.enqueue_dma source(%dma_start3A_184 : memref<3032xf32, #tpu.memory_space<hbm>>) target(%dma_start3A_183 : memref<3032xf32, #tpu.memory_space<vmem>>) target_semaphore(%arg11 : memref<!tpu.dma_semaphore, #tpu.memory_space<semaphore_mem>>)
      %dma_start3A_185 = arith.constant 0 : i32
      %dma_start3A_186 = tpu.memref_slice %arg7[%dma_start3A_185] : memref<3136xf32, #tpu.memory_space<vmem>> -> memref<3032xf32, #tpu.memory_space<vmem>>
      %dma_start3A_187 = tpu.memref_slice %arg3[%mul3A_2] : memref<100000xf32, #tpu.memory_space<hbm>> -> memref<3032xf32, #tpu.memory_space<hbm>>
      %dma_start3A_188 = arith.constant 0 : i32
      %dma_start3A_189 = tpu.memref_slice %arg7[%dma_start3A_188] : memref<3136xf32, #tpu.memory_space<vmem>> -> memref<3032xf32, #tpu.memory_space<vmem>>
      %dma_start3A_190 = tpu.memref_slice %arg3[%mul3A_2] : memref<100000xf32, #tpu.memory_space<hbm>> -> memref<3032xf32, #tpu.memory_space<hbm>>
      tpu.enqueue_dma source(%dma_start3A_190 : memref<3032xf32, #tpu.memory_space<hbm>>) target(%dma_start3A_189 : memref<3032xf32, #tpu.memory_space<vmem>>) target_semaphore(%arg11 : memref<!tpu.dma_semaphore, #tpu.memory_space<semaphore_mem>>)
    } else {
    }
    "tpu.region"() ({
      %run_scoped3A = tpu.sem_alloc : memref<!tpu.dma_semaphore, #tpu.memory_space<semaphore_mem>>
      tpu.enqueue_dma source(%arg4 : memref<64xf32, #tpu.memory_space<hbm>>) target(%arg9 : memref<64xf32, #tpu.memory_space<vmem>>) target_semaphore(%run_scoped3A : memref<!tpu.dma_semaphore, #tpu.memory_space<semaphore_mem>>)
      tpu.wait_dma2 semaphore(%run_scoped3A : memref<!tpu.dma_semaphore, #tpu.memory_space<semaphore_mem>>) src(%arg4 : memref<64xf32, #tpu.memory_space<hbm>>) dst(%arg9 : memref<64xf32, #tpu.memory_space<vmem>>)
      tpu.yield
    }) : () -> ()
    %get3A = arith.constant 0 : index
    %get3A_9 = tpu.vector_load %arg9[%get3A] {strides = array<i32>} : memref<64xf32, #tpu.memory_space<vmem>>, vector<16xf32>,
    %get3A_10 = arith.constant 16 : index
    %get3A_11 = tpu.vector_load %arg9[%get3A_10] {strides = array<i32>} : memref<64xf32, #tpu.memory_space<vmem>>, vector<16xf32>,
    %get3A_12 = arith.constant 32 : index
    %get3A_13 = tpu.vector_load %arg9[%get3A_12] {strides = array<i32>} : memref<64xf32, #tpu.memory_space<vmem>>, vector<16xf32>,
    %get3A_14 = arith.constant 48 : index
    %get3A_15 = tpu.vector_load %arg9[%get3A_14] {strides = array<i32>} : memref<64xf32, #tpu.memory_space<vmem>>, vector<16xf32>,
    %jit3A = arith.constant 3032 : i32
    %jit3A_16 = arith.constant 3128 : i32
    %select_n3A = arith.select %eq3A_3, %jit3A, %jit3A_16 : i32
    %iota3A = tpu.iota {dimensions = array<i32: 0>} : vector<16xi32>
    %convert_element_type3A_17 = arith.sitofp %iota3A : vector<16xi32> to vector<16xf32>
    %convert_element_type3A_18 = arith.sitofp %mul3A_2 : i32 to f32
    %add3A_19 = vector.broadcast %convert_element_type3A_18 : f32 to vector<16xf32>
    %add3A_20 = arith.addf %add3A_19, %convert_element_type3A_17 : vector<16xf32>
    %not3A_21 = arith.constant true
    %not3A_22 = arith.xori %eq3A_3, %not3A_21 : i1
    %convert_element_type3A_23 = arith.extui %not3A_22 : i1 to i32
    %cond3A_24 = arith.constant 0 : i32
    %cond3A_25 = arith.cmpi ne, %convert_element_type3A_23, %cond3A_24 : i32
    scf.if %cond3A_25 {
      %add3A_162 = arith.constant 0 : i32
      %add3A_163 = arith.addi %add3A_162, %mul3A_2 : i32
      %dma_wait3A = arith.constant 0 : i32
      %dma_wait3A_164 = tpu.memref_slice %arg6[%dma_wait3A] : memref<9408xf32, #tpu.memory_space<vmem>> -> memref<3128xf32, #tpu.memory_space<vmem>>
      %dma_wait3A_165 = tpu.memref_slice %arg2[%add3A_163] : memref<300000xf32, #tpu.memory_space<hbm>> -> memref<3128xf32, #tpu.memory_space<hbm>>
      %dma_wait3A_166 = arith.constant 0 : i32
      %dma_wait3A_167 = tpu.memref_slice %arg6[%dma_wait3A_166] : memref<9408xf32, #tpu.memory_space<vmem>> -> memref<3128xf32, #tpu.memory_space<vmem>>
      %dma_wait3A_168 = tpu.memref_slice %arg2[%add3A_163] : memref<300000xf32, #tpu.memory_space<hbm>> -> memref<3128xf32, #tpu.memory_space<hbm>>
      tpu.wait_dma2 semaphore(%arg11 : memref<!tpu.dma_semaphore, #tpu.memory_space<semaphore_mem>>) src(%dma_wait3A_168 : memref<3128xf32, #tpu.memory_space<hbm>>) dst(%dma_wait3A_167 : memref<3128xf32, #tpu.memory_space<vmem>>)
      %add3A_169 = arith.constant 100000 : i32
      %add3A_170 = arith.addi %add3A_169, %mul3A_2 : i32
      %dma_wait3A_171 = arith.constant 3136 : i32
      %dma_wait3A_172 = tpu.memref_slice %arg6[%dma_wait3A_171] : memref<9408xf32, #tpu.memory_space<vmem>> -> memref<3128xf32, #tpu.memory_space<vmem>>
      %dma_wait3A_173 = tpu.memref_slice %arg2[%add3A_170] : memref<300000xf32, #tpu.memory_space<hbm>> -> memref<3128xf32, #tpu.memory_space<hbm>>
      %dma_wait3A_174 = arith.constant 3136 : i32
      %dma_wait3A_175 = tpu.memref_slice %arg6[%dma_wait3A_174] : memref<9408xf32, #tpu.memory_space<vmem>> -> memref<3128xf32, #tpu.memory_space<vmem>>
      %dma_wait3A_176 = tpu.memref_slice %arg2[%add3A_170] : memref<300000xf32, #tpu.memory_space<hbm>> -> memref<3128xf32, #tpu.memory_space<hbm>>
      tpu.wait_dma2 semaphore(%arg11 : memref<!tpu.dma_semaphore, #tpu.memory_space<semaphore_mem>>) src(%dma_wait3A_176 : memref<3128xf32, #tpu.memory_space<hbm>>) dst(%dma_wait3A_175 : memref<3128xf32, #tpu.memory_space<vmem>>)
      %add3A_177 = arith.constant 200000 : i32
      %add3A_178 = arith.addi %add3A_177, %mul3A_2 : i32
      %dma_wait3A_179 = arith.constant 6272 : i32
      %dma_wait3A_180 = tpu.memref_slice %arg6[%dma_wait3A_179] : memref<9408xf32, #tpu.memory_space<vmem>> -> memref<3128xf32, #tpu.memory_space<vmem>>
      %dma_wait3A_181 = tpu.memref_slice %arg2[%add3A_178] : memref<300000xf32, #tpu.memory_space<hbm>> -> memref<3128xf32, #tpu.memory_space<hbm>>
      %dma_wait3A_182 = arith.constant 6272 : i32
      %dma_wait3A_183 = tpu.memref_slice %arg6[%dma_wait3A_182] : memref<9408xf32, #tpu.memory_space<vmem>> -> memref<3128xf32, #tpu.memory_space<vmem>>
      %dma_wait3A_184 = tpu.memref_slice %arg2[%add3A_178] : memref<300000xf32, #tpu.memory_space<hbm>> -> memref<3128xf32, #tpu.memory_space<hbm>>
      tpu.wait_dma2 semaphore(%arg11 : memref<!tpu.dma_semaphore, #tpu.memory_space<semaphore_mem>>) src(%dma_wait3A_184 : memref<3128xf32, #tpu.memory_space<hbm>>) dst(%dma_wait3A_183 : memref<3128xf32, #tpu.memory_space<vmem>>)
      %dma_wait3A_185 = arith.constant 0 : i32
      %dma_wait3A_186 = tpu.memref_slice %arg7[%dma_wait3A_185] : memref<3136xf32, #tpu.memory_space<vmem>> -> memref<3128xf32, #tpu.memory_space<vmem>>
      %dma_wait3A_187 = tpu.memref_slice %arg3[%mul3A_2] : memref<100000xf32, #tpu.memory_space<hbm>> -> memref<3128xf32, #tpu.memory_space<hbm>>
      %dma_wait3A_188 = arith.constant 0 : i32
      %dma_wait3A_189 = tpu.memref_slice %arg7[%dma_wait3A_188] : memref<3136xf32, #tpu.memory_space<vmem>> -> memref<3128xf32, #tpu.memory_space<vmem>>
      %dma_wait3A_190 = tpu.memref_slice %arg3[%mul3A_2] : memref<100000xf32, #tpu.memory_space<hbm>> -> memref<3128xf32, #tpu.memory_space<hbm>>
      tpu.wait_dma2 semaphore(%arg11 : memref<!tpu.dma_semaphore, #tpu.memory_space<semaphore_mem>>) src(%dma_wait3A_190 : memref<3128xf32, #tpu.memory_space<hbm>>) dst(%dma_wait3A_189 : memref<3128xf32, #tpu.memory_space<vmem>>)
    } else {
    }
    %convert_element_type3A_26 = arith.extui %eq3A_3 : i1 to i32
    %cond3A_27 = arith.constant 0 : i32
    %cond3A_28 = arith.cmpi ne, %convert_element_type3A_26, %cond3A_27 : i32
    scf.if %cond3A_28 {
      %add3A_162 = arith.constant 0 : i32
      %add3A_163 = arith.addi %add3A_162, %mul3A_2 : i32
      %dma_wait3A = arith.constant 0 : i32
      %dma_wait3A_164 = tpu.memref_slice %arg6[%dma_wait3A] : memref<9408xf32, #tpu.memory_space<vmem>> -> memref<3032xf32, #tpu.memory_space<vmem>>
      %dma_wait3A_165 = tpu.memref_slice %arg2[%add3A_163] : memref<300000xf32, #tpu.memory_space<hbm>> -> memref<3032xf32, #tpu.memory_space<hbm>>
      %dma_wait3A_166 = arith.constant 0 : i32
      %dma_wait3A_167 = tpu.memref_slice %arg6[%dma_wait3A_166] : memref<9408xf32, #tpu.memory_space<vmem>> -> memref<3032xf32, #tpu.memory_space<vmem>>
      %dma_wait3A_168 = tpu.memref_slice %arg2[%add3A_163] : memref<300000xf32, #tpu.memory_space<hbm>> -> memref<3032xf32, #tpu.memory_space<hbm>>
      tpu.wait_dma2 semaphore(%arg11 : memref<!tpu.dma_semaphore, #tpu.memory_space<semaphore_mem>>) src(%dma_wait3A_168 : memref<3032xf32, #tpu.memory_space<hbm>>) dst(%dma_wait3A_167 : memref<3032xf32, #tpu.memory_space<vmem>>)
      %add3A_169 = arith.constant 100000 : i32
      %add3A_170 = arith.addi %add3A_169, %mul3A_2 : i32
      %dma_wait3A_171 = arith.constant 3136 : i32
      %dma_wait3A_172 = tpu.memref_slice %arg6[%dma_wait3A_171] : memref<9408xf32, #tpu.memory_space<vmem>> -> memref<3032xf32, #tpu.memory_space<vmem>>
      %dma_wait3A_173 = tpu.memref_slice %arg2[%add3A_170] : memref<300000xf32, #tpu.memory_space<hbm>> -> memref<3032xf32, #tpu.memory_space<hbm>>
      %dma_wait3A_174 = arith.constant 3136 : i32
      %dma_wait3A_175 = tpu.memref_slice %arg6[%dma_wait3A_174] : memref<9408xf32, #tpu.memory_space<vmem>> -> memref<3032xf32, #tpu.memory_space<vmem>>
      %dma_wait3A_176 = tpu.memref_slice %arg2[%add3A_170] : memref<300000xf32, #tpu.memory_space<hbm>> -> memref<3032xf32, #tpu.memory_space<hbm>>
      tpu.wait_dma2 semaphore(%arg11 : memref<!tpu.dma_semaphore, #tpu.memory_space<semaphore_mem>>) src(%dma_wait3A_176 : memref<3032xf32, #tpu.memory_space<hbm>>) dst(%dma_wait3A_175 : memref<3032xf32, #tpu.memory_space<vmem>>)
      %add3A_177 = arith.constant 200000 : i32
      %add3A_178 = arith.addi %add3A_177, %mul3A_2 : i32
      %dma_wait3A_179 = arith.constant 6272 : i32
      %dma_wait3A_180 = tpu.memref_slice %arg6[%dma_wait3A_179] : memref<9408xf32, #tpu.memory_space<vmem>> -> memref<3032xf32, #tpu.memory_space<vmem>>
      %dma_wait3A_181 = tpu.memref_slice %arg2[%add3A_178] : memref<300000xf32, #tpu.memory_space<hbm>> -> memref<3032xf32, #tpu.memory_space<hbm>>
      %dma_wait3A_182 = arith.constant 6272 : i32
      %dma_wait3A_183 = tpu.memref_slice %arg6[%dma_wait3A_182] : memref<9408xf32, #tpu.memory_space<vmem>> -> memref<3032xf32, #tpu.memory_space<vmem>>
      %dma_wait3A_184 = tpu.memref_slice %arg2[%add3A_178] : memref<300000xf32, #tpu.memory_space<hbm>> -> memref<3032xf32, #tpu.memory_space<hbm>>
      tpu.wait_dma2 semaphore(%arg11 : memref<!tpu.dma_semaphore, #tpu.memory_space<semaphore_mem>>) src(%dma_wait3A_184 : memref<3032xf32, #tpu.memory_space<hbm>>) dst(%dma_wait3A_183 : memref<3032xf32, #tpu.memory_space<vmem>>)
      %dma_wait3A_185 = arith.constant 0 : i32
      %dma_wait3A_186 = tpu.memref_slice %arg7[%dma_wait3A_185] : memref<3136xf32, #tpu.memory_space<vmem>> -> memref<3032xf32, #tpu.memory_space<vmem>>
      %dma_wait3A_187 = tpu.memref_slice %arg3[%mul3A_2] : memref<100000xf32, #tpu.memory_space<hbm>> -> memref<3032xf32, #tpu.memory_space<hbm>>
      %dma_wait3A_188 = arith.constant 0 : i32
      %dma_wait3A_189 = tpu.memref_slice %arg7[%dma_wait3A_188] : memref<3136xf32, #tpu.memory_space<vmem>> -> memref<3032xf32, #tpu.memory_space<vmem>>
      %dma_wait3A_190 = tpu.memref_slice %arg3[%mul3A_2] : memref<100000xf32, #tpu.memory_space<hbm>> -> memref<3032xf32, #tpu.memory_space<hbm>>
      tpu.wait_dma2 semaphore(%arg11 : memref<!tpu.dma_semaphore, #tpu.memory_space<semaphore_mem>>) src(%dma_wait3A_190 : memref<3032xf32, #tpu.memory_space<hbm>>) dst(%dma_wait3A_189 : memref<3032xf32, #tpu.memory_space<vmem>>)
    } else {
    }
    %jit3A_29 = arith.constant 16 : i32
    %div3A = arith.divsi %select_n3A, %jit3A_29 : i32
    %sign3A = arith.constant 0 : i32
    %sign3A_30 = arith.cmpi sgt, %select_n3A, %sign3A : i32
    %sign3A_31 = arith.extui %sign3A_30 : i1 to i32
    %sign3A_32 = arith.constant 0 : i32
    %sign3A_33 = arith.cmpi slt, %select_n3A, %sign3A_32 : i32
    %sign3A_34 = arith.extui %sign3A_33 : i1 to i32
    %sign3A_35 = arith.subi %sign3A_31, %sign3A_34 : i32
    %sign3A_36 = arith.constant 0 : i32
    %sign3A_37 = arith.cmpi sgt, %jit3A_29, %sign3A_36 : i32
    %sign3A_38 = arith.extui %sign3A_37 : i1 to i32
    %sign3A_39 = arith.constant 0 : i32
    %sign3A_40 = arith.cmpi slt, %jit3A_29, %sign3A_39 : i32
    %sign3A_41 = arith.extui %sign3A_40 : i1 to i32
    %sign3A_42 = arith.subi %sign3A_38, %sign3A_41 : i32
    %ne3A = arith.cmpi ne, %sign3A_35, %sign3A_42 : i32
    %rem3A = arith.remsi %select_n3A, %jit3A_29 : i32
    %ne3A_43 = arith.constant 0 : i32
    %ne3A_44 = arith.cmpi ne, %rem3A, %ne3A_43 : i32
    %and3A = arith.andi %ne3A, %ne3A_44 : i1
    %sub3A = arith.constant 1 : i32
    %sub3A_45 = arith.subi %div3A, %sub3A : i32
    %select_n3A_46 = arith.select %and3A, %sub3A_45, %div3A : i32
    %get3A_47 = arith.constant 0 : index
    %get3A_48 = tpu.vector_load %arg6[%get3A_47] {strides = array<i32>} : memref<9408xf32, #tpu.memory_space<vmem>>, vector<16xf32>,
    %get3A_49 = arith.constant 3136 : index
    %get3A_50 = tpu.vector_load %arg6[%get3A_49] {strides = array<i32>} : memref<9408xf32, #tpu.memory_space<vmem>>, vector<16xf32>,
    %get3A_51 = arith.constant 6272 : index
    %get3A_52 = tpu.vector_load %arg6[%get3A_51] {strides = array<i32>} : memref<9408xf32, #tpu.memory_space<vmem>>, vector<16xf32>,
    %get3A_53 = arith.constant 0 : index
    %get3A_54 = tpu.vector_load %arg7[%get3A_53] {strides = array<i32>} : memref<3136xf32, #tpu.memory_space<vmem>>, vector<16xf32>,
    %mul3A_55 = arith.mulf %get3A_48, %get3A_9 : vector<16xf32>
    %mul3A_56 = arith.mulf %get3A_50, %get3A_11 : vector<16xf32>
    %add3A_57 = arith.addf %mul3A_55, %mul3A_56 : vector<16xf32>
    %mul3A_58 = arith.mulf %get3A_52, %get3A_13 : vector<16xf32>
    %add3A_59 = arith.addf %add3A_57, %mul3A_58 : vector<16xf32>
    %add3A_60 = arith.addf %add3A_59, %get3A_54 : vector<16xf32>
    %add3A_61 = vector.broadcast %mul3A_2 : i32 to vector<16xi32>
    %add3A_62 = arith.addi %add3A_61, %iota3A : vector<16xi32>
    %lt3A = arith.constant 2 : i32
    %lt3A_63 = vector.broadcast %lt3A : i32 to vector<16xi32>
    %lt3A_64 = arith.cmpi slt, %add3A_62, %lt3A_63 : vector<16xi32>
    %mul3A_65 = arith.mulf %add3A_60, %get3A_15 : vector<16xf32>
    %select_n3A_66 = arith.select %lt3A_64, %mul3A_65, %add3A_60 : vector<16xi1>, vector<16xf32>
    %swap3A = arith.constant 0 : index
    %swap3A_67 = tpu.vector_load %arg8[%swap3A] {strides = array<i32>} : memref<3136xf32, #tpu.memory_space<vmem>>, vector<16xf32>,
    tpu.vector_store %arg8[%swap3A], %select_n3A_66 {strides = array<i32>} : memref<3136xf32, #tpu.memory_space<vmem>>, vector<16xf32>,
    %while3A = arith.constant 1 : i32
    %while3A_68 = arith.subi %select_n3A_46, %while3A : i32
    %while3A_69 = arith.addi %while3A, %while3A_68 : i32
    %while3A_70 = arith.constant 1 : i32
    %while3A_71 = arith.divsi %while3A_68, %while3A_70 : i32
    %while3A_72 = arith.muli %while3A_71, %while3A_70 : i32
    %while3A_73 = arith.addi %while3A, %while3A_72 : i32
    %while3A_74 = arith.constant 1 : i32
    %while3A_75 = scf.for %while3A_162 = %while3A to %while3A_73 step %while3A_74 iter_args(%while3A_163 = %select_n3A_66) -> (vector<16xf32>)  : i32 {
      %mul3A_164 = arith.constant 16 : i32
      %mul3A_165 = arith.muli %while3A_162, %mul3A_164 : i32
      %get3A_166 = arith.index_cast %mul3A_165 : i32 to index
      %get3A_167 = tpu.vector_load %arg6[%get3A_166] {strides = array<i32>} : memref<9408xf32, #tpu.memory_space<vmem>>, vector<16xf32>,
      %add3A_168 = arith.constant 3136 : i32
      %add3A_169 = arith.addi %add3A_168, %mul3A_165 : i32
      %get3A_170 = arith.index_cast %add3A_169 : i32 to index
      %get3A_171 = tpu.vector_load %arg6[%get3A_170] {strides = array<i32>} : memref<9408xf32, #tpu.memory_space<vmem>>, vector<16xf32>,
      %add3A_172 = arith.constant 6272 : i32
      %add3A_173 = arith.addi %add3A_172, %mul3A_165 : i32
      %get3A_174 = arith.index_cast %add3A_173 : i32 to index
      %get3A_175 = tpu.vector_load %arg6[%get3A_174] {strides = array<i32>} : memref<9408xf32, #tpu.memory_space<vmem>>, vector<16xf32>,
      %get3A_176 = arith.index_cast %mul3A_165 : i32 to index
      %get3A_177 = tpu.vector_load %arg7[%get3A_176] {strides = array<i32>} : memref<3136xf32, #tpu.memory_space<vmem>>, vector<16xf32>,
      %mul3A_178 = arith.mulf %get3A_167, %get3A_9 : vector<16xf32>
      %mul3A_179 = arith.mulf %get3A_171, %get3A_11 : vector<16xf32>
      %add3A_180 = arith.addf %mul3A_178, %mul3A_179 : vector<16xf32>
      %mul3A_181 = arith.mulf %get3A_175, %get3A_13 : vector<16xf32>
      %add3A_182 = arith.addf %add3A_180, %mul3A_181 : vector<16xf32>
      %add3A_183 = arith.addf %add3A_182, %get3A_177 : vector<16xf32>
      %mul3A_184 = arith.constant 16 : i32
      %mul3A_185 = arith.muli %while3A_162, %mul3A_184 : i32
      %swap3A_186 = arith.index_cast %mul3A_185 : i32 to index
      %swap3A_187 = tpu.vector_load %arg8[%swap3A_186] {strides = array<i32>} : memref<3136xf32, #tpu.memory_space<vmem>>, vector<16xf32>,
      tpu.vector_store %arg8[%swap3A_186], %add3A_183 {strides = array<i32>} : memref<3136xf32, #tpu.memory_space<vmem>>, vector<16xf32>,
      %max3A_188 = arith.maximumf %while3A_163, %add3A_183 : vector<16xf32>
      scf.yield %max3A_188 : vector<16xf32>
    }
    %while3A_76 = arith.constant 1 : i32
    %while3A_77 = scf.for %while3A_162 = %while3A_73 to %while3A_69 step %while3A_76 iter_args(%while3A_163 = %while3A_75) -> (vector<16xf32>)  : i32 {
      %mul3A_164 = arith.constant 16 : i32
      %mul3A_165 = arith.muli %while3A_162, %mul3A_164 : i32
      %get3A_166 = arith.index_cast %mul3A_165 : i32 to index
      %get3A_167 = tpu.vector_load %arg6[%get3A_166] {strides = array<i32>} : memref<9408xf32, #tpu.memory_space<vmem>>, vector<16xf32>,
      %add3A_168 = arith.constant 3136 : i32
      %add3A_169 = arith.addi %add3A_168, %mul3A_165 : i32
      %get3A_170 = arith.index_cast %add3A_169 : i32 to index
      %get3A_171 = tpu.vector_load %arg6[%get3A_170] {strides = array<i32>} : memref<9408xf32, #tpu.memory_space<vmem>>, vector<16xf32>,
      %add3A_172 = arith.constant 6272 : i32
      %add3A_173 = arith.addi %add3A_172, %mul3A_165 : i32
      %get3A_174 = arith.index_cast %add3A_173 : i32 to index
      %get3A_175 = tpu.vector_load %arg6[%get3A_174] {strides = array<i32>} : memref<9408xf32, #tpu.memory_space<vmem>>, vector<16xf32>,
      %get3A_176 = arith.index_cast %mul3A_165 : i32 to index
      %get3A_177 = tpu.vector_load %arg7[%get3A_176] {strides = array<i32>} : memref<3136xf32, #tpu.memory_space<vmem>>, vector<16xf32>,
      %mul3A_178 = arith.mulf %get3A_167, %get3A_9 : vector<16xf32>
      %mul3A_179 = arith.mulf %get3A_171, %get3A_11 : vector<16xf32>
      %add3A_180 = arith.addf %mul3A_178, %mul3A_179 : vector<16xf32>
      %mul3A_181 = arith.mulf %get3A_175, %get3A_13 : vector<16xf32>
      %add3A_182 = arith.addf %add3A_180, %mul3A_181 : vector<16xf32>
      %add3A_183 = arith.addf %add3A_182, %get3A_177 : vector<16xf32>
      %mul3A_184 = arith.constant 16 : i32
      %mul3A_185 = arith.muli %while3A_162, %mul3A_184 : i32
      %swap3A_186 = arith.index_cast %mul3A_185 : i32 to index
      %swap3A_187 = tpu.vector_load %arg8[%swap3A_186] {strides = array<i32>} : memref<3136xf32, #tpu.memory_space<vmem>>, vector<16xf32>,
      tpu.vector_store %arg8[%swap3A_186], %add3A_183 {strides = array<i32>} : memref<3136xf32, #tpu.memory_space<vmem>>, vector<16xf32>,
      %max3A_188 = arith.maximumf %while3A_163, %add3A_183 : vector<16xf32>
      scf.yield %max3A_188 : vector<16xf32>
    }
    %mul3A_78 = arith.constant 16 : i32
    %mul3A_79 = arith.muli %select_n3A_46, %mul3A_78 : i32
    %get3A_80 = arith.index_cast %mul3A_79 : i32 to index
    %get3A_81 = tpu.vector_load %arg6[%get3A_80] {strides = array<i32>} : memref<9408xf32, #tpu.memory_space<vmem>>, vector<16xf32>,
    %add3A_82 = arith.constant 3136 : i32
    %add3A_83 = arith.addi %add3A_82, %mul3A_79 : i32
    %get3A_84 = arith.index_cast %add3A_83 : i32 to index
    %get3A_85 = tpu.vector_load %arg6[%get3A_84] {strides = array<i32>} : memref<9408xf32, #tpu.memory_space<vmem>>, vector<16xf32>,
    %add3A_86 = arith.constant 6272 : i32
    %add3A_87 = arith.addi %add3A_86, %mul3A_79 : i32
    %get3A_88 = arith.index_cast %add3A_87 : i32 to index
    %get3A_89 = tpu.vector_load %arg6[%get3A_88] {strides = array<i32>} : memref<9408xf32, #tpu.memory_space<vmem>>, vector<16xf32>,
    %get3A_90 = arith.index_cast %mul3A_79 : i32 to index
    %get3A_91 = tpu.vector_load %arg7[%get3A_90] {strides = array<i32>} : memref<3136xf32, #tpu.memory_space<vmem>>, vector<16xf32>,
    %mul3A_92 = arith.mulf %get3A_81, %get3A_9 : vector<16xf32>
    %mul3A_93 = arith.mulf %get3A_85, %get3A_11 : vector<16xf32>
    %add3A_94 = arith.addf %mul3A_92, %mul3A_93 : vector<16xf32>
    %mul3A_95 = arith.mulf %get3A_89, %get3A_13 : vector<16xf32>
    %add3A_96 = arith.addf %add3A_94, %mul3A_95 : vector<16xf32>
    %add3A_97 = arith.addf %add3A_96, %get3A_91 : vector<16xf32>
    %lt3A_98 = arith.constant 8 : i32
    %lt3A_99 = vector.broadcast %lt3A_98 : i32 to vector<16xi32>
    %lt3A_100 = arith.cmpi slt, %iota3A, %lt3A_99 : vector<16xi32>
    %jit3A_101 = arith.constant -1.000000e+30 : f32
    %broadcast_in_dim3A = vector.broadcast %jit3A_101 : f32 to vector<16xf32>
    %select_n3A_102 = arith.select %lt3A_100, %add3A_97, %broadcast_in_dim3A : vector<16xi1>, vector<16xf32>
    %mul3A_103 = arith.constant 16 : i32
    %mul3A_104 = arith.muli %select_n3A_46, %mul3A_103 : i32
    %swap3A_105 = arith.index_cast %mul3A_104 : i32 to index
    %swap3A_106 = tpu.vector_load %arg8[%swap3A_105] {strides = array<i32>} : memref<3136xf32, #tpu.memory_space<vmem>>, vector<16xf32>,
    tpu.vector_store %arg8[%swap3A_105], %select_n3A_102 {strides = array<i32>} : memref<3136xf32, #tpu.memory_space<vmem>>, vector<16xf32>,
    %max3A = arith.maximumf %while3A_77, %select_n3A_102 : vector<16xf32>
    %reduce_max3A = arith.constant true
    %reduce_max3A_107 = vector.broadcast %reduce_max3A : i1 to vector<16xi1>
    %reduce_max3A_108 = tpu.scan <max>, %max3A masked %reduce_max3A_107 : vector<16xf32>, vector<16xi1> -> vector<16xf32>
    %reduce_max3A_109 = vector.extract %reduce_max3A_108[15] : f32 from vector<16xf32>
    %broadcast_in_dim3A_110 = vector.broadcast %reduce_max3A_109 : f32 to vector<16xf32>
    %broadcast_in_dim3A_111 = arith.constant 0.000000e+00 : f32
    %broadcast_in_dim3A_112 = vector.broadcast %broadcast_in_dim3A_111 : f32 to vector<16xf32>
    %add3A_113 = arith.constant 1 : i32
    %add3A_114 = arith.addi %select_n3A_46, %add3A_113 : i32
    %broadcast_in_dim3A_115 = arith.constant 1.000000e+09 : f32
    %broadcast_in_dim3A_116 = vector.broadcast %broadcast_in_dim3A_115 : f32 to vector<16xf32>
    %while3A_117 = arith.constant 0 : i32
    %while3A_118 = arith.subi %add3A_114, %while3A_117 : i32
    %while3A_119 = arith.addi %while3A_117, %while3A_118 : i32
    %while3A_120 = arith.constant 1 : i32
    %while3A_121 = arith.divsi %while3A_118, %while3A_120 : i32
    %while3A_122 = arith.muli %while3A_121, %while3A_120 : i32
    %while3A_123 = arith.addi %while3A_117, %while3A_122 : i32
    %while3A_124 = arith.constant 1 : i32
    %while3A_125:3 = scf.for %while3A_162 = %while3A_117 to %while3A_123 step %while3A_124 iter_args(%while3A_163 = %broadcast_in_dim3A_112, %while3A_164 = %broadcast_in_dim3A_112, %while3A_165 = %broadcast_in_dim3A_116) -> (vector<16xf32>, vector<16xf32>, vector<16xf32>)  : i32 {
      %mul3A_166 = arith.constant 16 : i32
      %mul3A_167 = arith.muli %while3A_162, %mul3A_166 : i32
      %get3A_168 = arith.index_cast %mul3A_167 : i32 to index
      %get3A_169 = tpu.vector_load %arg8[%get3A_168] {strides = array<i32>} : memref<3136xf32, #tpu.memory_space<vmem>>, vector<16xf32>,
      %sub3A_170 = arith.subf %get3A_169, %broadcast_in_dim3A_110 : vector<16xf32>
      %exp3A = math.exp %sub3A_170 : vector<16xf32>
      %add3A_171 = arith.addf %while3A_163, %exp3A : vector<16xf32>
      %mul3A_172 = arith.mulf %get3A_169, %exp3A : vector<16xf32>
      %add3A_173 = arith.addf %while3A_164, %mul3A_172 : vector<16xf32>
      %mul3A_174 = arith.constant 16 : i32
      %mul3A_175 = arith.muli %while3A_162, %mul3A_174 : i32
      %convert_element_type3A_176 = arith.sitofp %mul3A_175 : i32 to f32
      %add3A_177 = vector.broadcast %convert_element_type3A_176 : f32 to vector<16xf32>
      %add3A_178 = arith.addf %add3A_20, %add3A_177 : vector<16xf32>
      %eq3A_179 = arith.cmpf oeq, %get3A_169, %broadcast_in_dim3A_110 : vector<16xf32>
      %jit3A_180 = arith.constant 1.000000e+09 : f32
      %broadcast_in_dim3A_181 = vector.broadcast %jit3A_180 : f32 to vector<16xf32>
      %select_n3A_182 = arith.select %eq3A_179, %add3A_178, %broadcast_in_dim3A_181 : vector<16xi1>, vector<16xf32>
      %min3A = arith.minimumf %while3A_165, %select_n3A_182 : vector<16xf32>
      scf.yield %add3A_171, %add3A_173, %min3A : vector<16xf32>, vector<16xf32>, vector<16xf32>
    }
    %while3A_126 = arith.constant 1 : i32
    %while3A_127:3 = scf.for %while3A_162 = %while3A_123 to %while3A_119 step %while3A_126 iter_args(%while3A_163 = %while3A_125#0, %while3A_164 = %while3A_125#1, %while3A_165 = %while3A_125#2) -> (vector<16xf32>, vector<16xf32>, vector<16xf32>)  : i32 {
      %mul3A_166 = arith.constant 16 : i32
      %mul3A_167 = arith.muli %while3A_162, %mul3A_166 : i32
      %get3A_168 = arith.index_cast %mul3A_167 : i32 to index
      %get3A_169 = tpu.vector_load %arg8[%get3A_168] {strides = array<i32>} : memref<3136xf32, #tpu.memory_space<vmem>>, vector<16xf32>,
      %sub3A_170 = arith.subf %get3A_169, %broadcast_in_dim3A_110 : vector<16xf32>
      %exp3A = math.exp %sub3A_170 : vector<16xf32>
      %add3A_171 = arith.addf %while3A_163, %exp3A : vector<16xf32>
      %mul3A_172 = arith.mulf %get3A_169, %exp3A : vector<16xf32>
      %add3A_173 = arith.addf %while3A_164, %mul3A_172 : vector<16xf32>
      %mul3A_174 = arith.constant 16 : i32
      %mul3A_175 = arith.muli %while3A_162, %mul3A_174 : i32
      %convert_element_type3A_176 = arith.sitofp %mul3A_175 : i32 to f32
      %add3A_177 = vector.broadcast %convert_element_type3A_176 : f32 to vector<16xf32>
      %add3A_178 = arith.addf %add3A_20, %add3A_177 : vector<16xf32>
      %eq3A_179 = arith.cmpf oeq, %get3A_169, %broadcast_in_dim3A_110 : vector<16xf32>
      %jit3A_180 = arith.constant 1.000000e+09 : f32
      %broadcast_in_dim3A_181 = vector.broadcast %jit3A_180 : f32 to vector<16xf32>
      %select_n3A_182 = arith.select %eq3A_179, %add3A_178, %broadcast_in_dim3A_181 : vector<16xi1>, vector<16xf32>
      %min3A = arith.minimumf %while3A_165, %select_n3A_182 : vector<16xf32>
      scf.yield %add3A_171, %add3A_173, %min3A : vector<16xf32>, vector<16xf32>, vector<16xf32>
    }
    %reduce_sum3A = arith.constant true
    %reduce_sum3A_128 = vector.broadcast %reduce_sum3A : i1 to vector<16xi1>
    %reduce_sum3A_129 = tpu.scan <sum>, %while3A_127#0 masked %reduce_sum3A_128 : vector<16xf32>, vector<16xi1> -> vector<16xf32>
    %reduce_sum3A_130 = vector.extract %reduce_sum3A_129[15] : f32 from vector<16xf32>
    %reduce_sum3A_131 = arith.constant true
    %reduce_sum3A_132 = vector.broadcast %reduce_sum3A_131 : i1 to vector<16xi1>
    %reduce_sum3A_133 = tpu.scan <sum>, %while3A_127#1 masked %reduce_sum3A_132 : vector<16xf32>, vector<16xi1> -> vector<16xf32>
    %reduce_sum3A_134 = vector.extract %reduce_sum3A_133[15] : f32 from vector<16xf32>
    %reduce_min3A = arith.constant true
    %reduce_min3A_135 = vector.broadcast %reduce_min3A : i1 to vector<16xi1>
    %reduce_min3A_136 = tpu.scan <min>, %while3A_127#2 masked %reduce_min3A_135 : vector<16xf32>, vector<16xi1> -> vector<16xf32>
    %reduce_min3A_137 = vector.extract %reduce_min3A_136[15] : f32 from vector<16xf32>
    %eq3A_138 = arith.constant 0 : i32
    %eq3A_139 = vector.broadcast %eq3A_138 : i32 to vector<16xi32>
    %eq3A_140 = arith.cmpi eq, %iota3A, %eq3A_139 : vector<16xi32>
    %eq3A_141 = arith.constant 1 : i32
    %eq3A_142 = vector.broadcast %eq3A_141 : i32 to vector<16xi32>
    %eq3A_143 = arith.cmpi eq, %iota3A, %eq3A_142 : vector<16xi32>
    %eq3A_144 = arith.constant 2 : i32
    %eq3A_145 = vector.broadcast %eq3A_144 : i32 to vector<16xi32>
    %eq3A_146 = arith.cmpi eq, %iota3A, %eq3A_145 : vector<16xi32>
    %eq3A_147 = arith.constant 3 : i32
    %eq3A_148 = vector.broadcast %eq3A_147 : i32 to vector<16xi32>
    %eq3A_149 = arith.cmpi eq, %iota3A, %eq3A_148 : vector<16xi32>
    %jit3A_150 = arith.constant 0.000000e+00 : f32
    %broadcast_in_dim3A_151 = vector.broadcast %reduce_sum3A_134 : f32 to vector<16xf32>
    %broadcast_in_dim3A_152 = vector.broadcast %jit3A_150 : f32 to vector<16xf32>
    %select_n3A_153 = arith.select %eq3A_149, %broadcast_in_dim3A_151, %broadcast_in_dim3A_152 : vector<16xi1>, vector<16xf32>
    %broadcast_in_dim3A_154 = vector.broadcast %reduce_sum3A_130 : f32 to vector<16xf32>
    %select_n3A_155 = arith.select %eq3A_146, %broadcast_in_dim3A_154, %select_n3A_153 : vector<16xi1>, vector<16xf32>
    %broadcast_in_dim3A_156 = vector.broadcast %reduce_min3A_137 : f32 to vector<16xf32>
    %select_n3A_157 = arith.select %eq3A_143, %broadcast_in_dim3A_156, %select_n3A_155 : vector<16xi1>, vector<16xf32>
    %broadcast_in_dim3A_158 = vector.broadcast %reduce_max3A_109 : f32 to vector<16xf32>
    %select_n3A_159 = arith.select %eq3A_140, %broadcast_in_dim3A_158, %select_n3A_157 : vector<16xi1>, vector<16xf32>
    %swap3A_160 = arith.constant 0 : index
    %swap3A_161 = tpu.vector_load %arg10[%swap3A_160] {strides = array<i32>} : memref<16xf32, #tpu.memory_space<vmem>>, vector<16xf32>,
    tpu.vector_store %arg10[%swap3A_160], %select_n3A_159 {strides = array<i32>} : memref<16xf32, #tpu.memory_space<vmem>>, vector<16xf32>,
    "tpu.region"() ({
      %run_scoped3A = tpu.sem_alloc : memref<!tpu.dma_semaphore, #tpu.memory_space<semaphore_mem>>
      %dma_start3A = arith.constant 0 : i32
      %dma_start3A_162 = tpu.memref_slice %arg5[%add3A, %dma_start3A] : memref<32x16xf32, #tpu.memory_space<hbm>> -> memref<1x16xf32, #tpu.memory_space<hbm>>
      %dma_start3A_163 = tpu.memref_squeeze %dma_start3A_162 : memref<1x16xf32, #tpu.memory_space<hbm>> -> memref<16xf32, #tpu.memory_space<hbm>>
      %dma_start3A_164 = arith.constant 0 : i32
      %dma_start3A_165 = tpu.memref_slice %arg5[%add3A, %dma_start3A_164] : memref<32x16xf32, #tpu.memory_space<hbm>> -> memref<1x16xf32, #tpu.memory_space<hbm>>
      %dma_start3A_166 = tpu.memref_squeeze %dma_start3A_165 : memref<1x16xf32, #tpu.memory_space<hbm>> -> memref<16xf32, #tpu.memory_space<hbm>>
      tpu.enqueue_dma source(%arg10 : memref<16xf32, #tpu.memory_space<vmem>>) target(%dma_start3A_166 : memref<16xf32, #tpu.memory_space<hbm>>) target_semaphore(%run_scoped3A : memref<!tpu.dma_semaphore, #tpu.memory_space<semaphore_mem>>)
      %dma_wait3A = arith.constant 0 : i32
      %dma_wait3A_167 = tpu.memref_slice %arg5[%add3A, %dma_wait3A] : memref<32x16xf32, #tpu.memory_space<hbm>> -> memref<1x16xf32, #tpu.memory_space<hbm>>
      %dma_wait3A_168 = tpu.memref_squeeze %dma_wait3A_167 : memref<1x16xf32, #tpu.memory_space<hbm>> -> memref<16xf32, #tpu.memory_space<hbm>>
      %dma_wait3A_169 = arith.constant 0 : i32
      %dma_wait3A_170 = tpu.memref_slice %arg5[%add3A, %dma_wait3A_169] : memref<32x16xf32, #tpu.memory_space<hbm>> -> memref<1x16xf32, #tpu.memory_space<hbm>>
      %dma_wait3A_171 = tpu.memref_squeeze %dma_wait3A_170 : memref<1x16xf32, #tpu.memory_space<hbm>> -> memref<16xf32, #tpu.memory_space<hbm>>
      tpu.wait_dma2 semaphore(%run_scoped3A : memref<!tpu.dma_semaphore, #tpu.memory_space<semaphore_mem>>) src(%arg10 : memref<16xf32, #tpu.memory_space<vmem>>) dst(%dma_wait3A_171 : memref<16xf32, #tpu.memory_space<hbm>>)
      tpu.yield
    }) : () -> ()
    return
  }
}

module attributes {stable_mosaic.version = 14 : i64} {
  func.func @_mlp_body(%arg0: memref<1x4096xf32, #tpu.memory_space<vmem>>, %arg1: memref<3x4096xf32, #tpu.memory_space<vmem>>, %arg2: memref<1x3xf32, #tpu.memory_space<vmem>>, %arg3: memref<3x3xf32, #tpu.memory_space<vmem>>, %arg4: memref<1x3xf32, #tpu.memory_space<vmem>>, %arg5: memref<1x1xf32, #tpu.memory_space<vmem>>, %arg6: memref<4x16xf32, #tpu.memory_space<vmem>>) attributes {dimension_semantics = [], scalar_prefetch = 0 : i64, scratch_operands = 0 : i64, tpu.core_type = #tpu.core_type<tc>} {
    %get3A = arith.constant 0 : index
    %get3A_0 = arith.constant 0 : index
    %get3A_1 = vector.load %arg0[%get3A, %get3A_0] : memref<1x4096xf32, #tpu.memory_space<vmem>>, vector<1x4096xf32>
    %get3A_2 = arith.constant 0 : index
    %get3A_3 = arith.constant 0 : index
    %get3A_4 = vector.load %arg1[%get3A_2, %get3A_3] : memref<3x4096xf32, #tpu.memory_space<vmem>>, vector<3x4096xf32>
    %dot_general3A = arith.constant dense<0.000000e+00> : vector<1x3xf32>
    %dot_general3A_5 = tpu.matmul %get3A_1, %get3A_4, %dot_general3A {dimension_numbers = #tpu.dot_dimension_numbers<[1], [1], [0], [0], [0, 0, 1, 0], [], []>, transpose_lhs_hint = false} : vector<1x4096xf32>, vector<3x4096xf32>, vector<1x3xf32> -> vector<1x3xf32>
    %get3A_6 = arith.constant 0 : index
    %get3A_7 = arith.constant 0 : index
    %get3A_8 = vector.load %arg2[%get3A_6, %get3A_7] : memref<1x3xf32, #tpu.memory_space<vmem>>, vector<1x3xf32>
    %add3A = arith.addf %dot_general3A_5, %get3A_8 : vector<1x3xf32>
    %max3A = arith.constant 0.000000e+00 : f32
    %max3A_9 = vector.broadcast %max3A : f32 to vector<1x3xf32>
    %max3A_10 = arith.maximumf %add3A, %max3A_9 : vector<1x3xf32>
    %get3A_11 = arith.constant 0 : index
    %get3A_12 = arith.constant 0 : index
    %get3A_13 = vector.load %arg3[%get3A_11, %get3A_12] : memref<3x3xf32, #tpu.memory_space<vmem>>, vector<3x3xf32>
    %dot_general3A_14 = arith.constant dense<0.000000e+00> : vector<1x3xf32>
    %dot_general3A_15 = tpu.matmul %max3A_10, %get3A_13, %dot_general3A_14 {dimension_numbers = #tpu.dot_dimension_numbers<[1], [1], [0], [0], [0, 0, 1, 0], [], []>, transpose_lhs_hint = false} : vector<1x3xf32>, vector<3x3xf32>, vector<1x3xf32> -> vector<1x3xf32>
    %get3A_16 = arith.constant 0 : index
    %get3A_17 = arith.constant 0 : index
    %get3A_18 = vector.load %arg4[%get3A_16, %get3A_17] : memref<1x3xf32, #tpu.memory_space<vmem>>, vector<1x3xf32>
    %add3A_19 = arith.addf %dot_general3A_15, %get3A_18 : vector<1x3xf32>
    %max3A_20 = arith.constant 0.000000e+00 : f32
    %max3A_21 = vector.broadcast %max3A_20 : f32 to vector<1x3xf32>
    %max3A_22 = arith.maximumf %add3A_19, %max3A_21 : vector<1x3xf32>
    %bitcast_convert_type3A = tpu.bitcast %max3A_22 : vector<1x3xf32> -> vector<1x3xi32>
    %add3A_23 = arith.constant 32767 : i32
    %add3A_24 = vector.broadcast %add3A_23 : i32 to vector<1x3xi32>
    %add3A_25 = arith.addi %bitcast_convert_type3A, %add3A_24 : vector<1x3xi32>
    %shift_right_arithmetic3A = arith.constant 16 : i32
    %shift_right_arithmetic3A_26 = vector.broadcast %shift_right_arithmetic3A : i32 to vector<1x3xi32>
    %shift_right_arithmetic3A_27 = arith.shrsi %bitcast_convert_type3A, %shift_right_arithmetic3A_26 : vector<1x3xi32>
    %and3A = arith.constant 1 : i32
    %and3A_28 = vector.broadcast %and3A : i32 to vector<1x3xi32>
    %and3A_29 = arith.andi %shift_right_arithmetic3A_27, %and3A_28 : vector<1x3xi32>
    %add3A_30 = arith.addi %add3A_25, %and3A_29 : vector<1x3xi32>
    %and3A_31 = arith.constant -65536 : i32
    %and3A_32 = vector.broadcast %and3A_31 : i32 to vector<1x3xi32>
    %and3A_33 = arith.andi %add3A_30, %and3A_32 : vector<1x3xi32>
    %bitcast_convert_type3A_34 = tpu.bitcast %and3A_33 : vector<1x3xi32> -> vector<1x3xf32>
    %iota3A = tpu.iota {dimensions = array<i32: 0>} : vector<4x16xi32>
    %eq3A = arith.constant 0 : i32
    %eq3A_35 = vector.broadcast %eq3A : i32 to vector<4x16xi32>
    %eq3A_36 = arith.cmpi eq, %iota3A, %eq3A_35 : vector<4x16xi32>
    %slice3A = vector.extract_strided_slice %bitcast_convert_type3A_34 {offsets = [0, 0], sizes = [1, 1], strides = [1, 1]} : vector<1x3xf32> to vector<1x1xf32>
    %squeeze3A = vector.extract %slice3A[0, 0] : f32 from vector<1x1xf32>
    %eq3A_37 = arith.constant 1 : i32
    %eq3A_38 = vector.broadcast %eq3A_37 : i32 to vector<4x16xi32>
    %eq3A_39 = arith.cmpi eq, %iota3A, %eq3A_38 : vector<4x16xi32>
    %slice3A_40 = vector.extract_strided_slice %bitcast_convert_type3A_34 {offsets = [0, 1], sizes = [1, 1], strides = [1, 1]} : vector<1x3xf32> to vector<1x1xf32>
    %squeeze3A_41 = vector.extract %slice3A_40[0, 0] : f32 from vector<1x1xf32>
    %eq3A_42 = arith.constant 2 : i32
    %eq3A_43 = vector.broadcast %eq3A_42 : i32 to vector<4x16xi32>
    %eq3A_44 = arith.cmpi eq, %iota3A, %eq3A_43 : vector<4x16xi32>
    %slice3A_45 = vector.extract_strided_slice %bitcast_convert_type3A_34 {offsets = [0, 2], sizes = [1, 1], strides = [1, 1]} : vector<1x3xf32> to vector<1x1xf32>
    %squeeze3A_46 = vector.extract %slice3A_45[0, 0] : f32 from vector<1x1xf32>
    %get3A_47 = arith.constant 0 : index
    %get3A_48 = arith.constant 0 : index
    %get3A_49 = vector.load %arg5[%get3A_47, %get3A_48] : memref<1x1xf32, #tpu.memory_space<vmem>>, vector<1x1xf32>
    %get3A_50 = vector.extract %get3A_49[0, 0] : f32 from vector<1x1xf32>
    %broadcast_in_dim3A = vector.broadcast %squeeze3A_46 : f32 to vector<4x16xf32>
    %broadcast_in_dim3A_51 = vector.broadcast %get3A_50 : f32 to vector<4x16xf32>
    %select_n3A = arith.select %eq3A_44, %broadcast_in_dim3A, %broadcast_in_dim3A_51 : vector<4x16xi1>, vector<4x16xf32>
    %broadcast_in_dim3A_52 = vector.broadcast %squeeze3A_41 : f32 to vector<4x16xf32>
    %select_n3A_53 = arith.select %eq3A_39, %broadcast_in_dim3A_52, %select_n3A : vector<4x16xi1>, vector<4x16xf32>
    %broadcast_in_dim3A_54 = vector.broadcast %squeeze3A : f32 to vector<4x16xf32>
    %select_n3A_55 = arith.select %eq3A_36, %broadcast_in_dim3A_54, %select_n3A_53 : vector<4x16xi1>, vector<4x16xf32>
    %swap3A = arith.constant 0 : index
    %swap3A_56 = arith.constant 0 : index
    %swap3A_57 = vector.load %arg6[%swap3A, %swap3A_56] : memref<4x16xf32, #tpu.memory_space<vmem>>, vector<4x16xf32>
    tpu.vector_store %arg6[%swap3A, %swap3A_56], %select_n3A_55 {strides = array<i32>} : memref<4x16xf32, #tpu.memory_space<vmem>>, vector<4x16xf32>,
    return
  }
}

module attributes {stable_mosaic.version = 14 : i64} {
  func.func @_merge_body(%arg0: memref<32x16xf32, #tpu.memory_space<vmem>>, %arg1: memref<1x1xi32, #tpu.memory_space<vmem>>, %arg2: memref<1x1xf32, #tpu.memory_space<vmem>>, %arg3: memref<1x1xf32, #tpu.memory_space<vmem>>) attributes {dimension_semantics = [], scalar_prefetch = 0 : i64, scratch_operands = 0 : i64, tpu.core_type = #tpu.core_type<tc>} {
    %get3A = arith.constant 0 : index
    %get3A_0 = arith.constant 0 : index
    %get3A_1 = vector.load %arg0[%get3A, %get3A_0] : memref<32x16xf32, #tpu.memory_space<vmem>>, vector<32x16xf32>
    %slice3A = vector.extract_strided_slice %get3A_1 {offsets = [0, 0], sizes = [32, 1], strides = [1, 1]} : vector<32x16xf32> to vector<32x1xf32>
    %slice3A_2 = vector.extract_strided_slice %get3A_1 {offsets = [0, 1], sizes = [32, 1], strides = [1, 1]} : vector<32x16xf32> to vector<32x1xf32>
    %slice3A_3 = vector.extract_strided_slice %get3A_1 {offsets = [0, 2], sizes = [32, 1], strides = [1, 1]} : vector<32x16xf32> to vector<32x1xf32>
    %slice3A_4 = vector.extract_strided_slice %get3A_1 {offsets = [0, 3], sizes = [32, 1], strides = [1, 1]} : vector<32x16xf32> to vector<32x1xf32>
    %reduce_max3A = vector.shape_cast %slice3A : vector<32x1xf32> to vector<1x32x1xf32>
    %reduce_max3A_5 = arith.constant dense<0xFF800000> : vector<1xf32>
    %reduce_max3A_6 = vector.multi_reduction <maximumf>, %reduce_max3A, %reduce_max3A_5 [1, 2] : vector<1x32x1xf32> to vector<1xf32>
    %reduce_max3A_7 = vector.shape_cast %reduce_max3A_6 : vector<1xf32> to vector<1x1x1xf32>
    %reduce_max3A_8 = vector.extract %reduce_max3A_7[0, 0, 0] : f32 from vector<1x1x1xf32>
    %sub3A = vector.broadcast %reduce_max3A_8 : f32 to vector<32x1xf32>
    %sub3A_9 = arith.subf %slice3A, %sub3A : vector<32x1xf32>
    %exp3A = math.exp %sub3A_9 : vector<32x1xf32>
    %mul3A = arith.mulf %slice3A_3, %exp3A : vector<32x1xf32>
    %reduce_sum3A = vector.shape_cast %mul3A : vector<32x1xf32> to vector<1x32x1xf32>
    %reduce_sum3A_10 = arith.constant dense<0.000000e+00> : vector<1xf32>
    %reduce_sum3A_11 = vector.multi_reduction <add>, %reduce_sum3A, %reduce_sum3A_10 [1, 2] : vector<1x32x1xf32> to vector<1xf32>
    %reduce_sum3A_12 = vector.shape_cast %reduce_sum3A_11 : vector<1xf32> to vector<1x1x1xf32>
    %reduce_sum3A_13 = vector.extract %reduce_sum3A_12[0, 0, 0] : f32 from vector<1x1x1xf32>
    %mul3A_14 = arith.mulf %slice3A_4, %exp3A : vector<32x1xf32>
    %reduce_sum3A_15 = vector.shape_cast %mul3A_14 : vector<32x1xf32> to vector<1x32x1xf32>
    %reduce_sum3A_16 = arith.constant dense<0.000000e+00> : vector<1xf32>
    %reduce_sum3A_17 = vector.multi_reduction <add>, %reduce_sum3A_15, %reduce_sum3A_16 [1, 2] : vector<1x32x1xf32> to vector<1xf32>
    %reduce_sum3A_18 = vector.shape_cast %reduce_sum3A_17 : vector<1xf32> to vector<1x1x1xf32>
    %reduce_sum3A_19 = vector.extract %reduce_sum3A_18[0, 0, 0] : f32 from vector<1x1x1xf32>
    %eq3A = vector.broadcast %reduce_max3A_8 : f32 to vector<32x1xf32>
    %eq3A_20 = arith.cmpf oeq, %slice3A, %eq3A : vector<32x1xf32>
    %jit3A = arith.constant 2.000000e+09 : f32
    %broadcast_in_dim3A = vector.broadcast %jit3A : f32 to vector<32x1xf32>
    %select_n3A = arith.select %eq3A_20, %slice3A_2, %broadcast_in_dim3A : vector<32x1xi1>, vector<32x1xf32>
    %reduce_min3A = vector.shape_cast %select_n3A : vector<32x1xf32> to vector<1x32x1xf32>
    %reduce_min3A_21 = arith.constant dense<0x7F800000> : vector<1xf32>
    %reduce_min3A_22 = vector.multi_reduction <minimumf>, %reduce_min3A, %reduce_min3A_21 [1, 2] : vector<1x32x1xf32> to vector<1xf32>
    %reduce_min3A_23 = vector.shape_cast %reduce_min3A_22 : vector<1xf32> to vector<1x1x1xf32>
    %reduce_min3A_24 = vector.extract %reduce_min3A_23[0, 0, 0] : f32 from vector<1x1x1xf32>
    %log3A = math.log %reduce_sum3A_13 : f32
    %broadcast_in_dim3A_25 = vector.broadcast %reduce_min3A_24 : f32 to vector<1x1xf32>
    %convert_element_type3A = arith.fptosi %broadcast_in_dim3A_25 : vector<1x1xf32> to vector<1x1xi32>
    %swap3A = arith.constant 0 : index
    %swap3A_26 = arith.constant 0 : index
    %swap3A_27 = vector.load %arg1[%swap3A, %swap3A_26] : memref<1x1xi32, #tpu.memory_space<vmem>>, vector<1x1xi32>
    tpu.vector_store %arg1[%swap3A, %swap3A_26], %convert_element_type3A {strides = array<i32>} : memref<1x1xi32, #tpu.memory_space<vmem>>, vector<1x1xi32>,
    %neg3A = arith.constant 0.000000e+00 : f32
    %neg3A_28 = arith.subf %neg3A, %log3A : f32
    %broadcast_in_dim3A_29 = vector.broadcast %neg3A_28 : f32 to vector<1x1xf32>
    %swap3A_30 = arith.constant 0 : index
    %swap3A_31 = arith.constant 0 : index
    %swap3A_32 = vector.load %arg2[%swap3A_30, %swap3A_31] : memref<1x1xf32, #tpu.memory_space<vmem>>, vector<1x1xf32>
    tpu.vector_store %arg2[%swap3A_30, %swap3A_31], %broadcast_in_dim3A_29 {strides = array<i32>} : memref<1x1xf32, #tpu.memory_space<vmem>>, vector<1x1xf32>,
    %add3A = arith.addf %reduce_max3A_8, %log3A : f32
    %div3A = arith.divf %reduce_sum3A_19, %reduce_sum3A_13 : f32
    %sub3A_33 = arith.subf %add3A, %div3A : f32
    %broadcast_in_dim3A_34 = vector.broadcast %sub3A_33 : f32 to vector<1x1xf32>
    %swap3A_35 = arith.constant 0 : index
    %swap3A_36 = arith.constant 0 : index
    %swap3A_37 = vector.load %arg3[%swap3A_35, %swap3A_36] : memref<1x1xf32, #tpu.memory_space<vmem>>, vector<1x1xf32>
    tpu.vector_store %arg3[%swap3A_35, %swap3A_36], %broadcast_in_dim3A_34 {strides = array<i32>} : memref<1x1xf32, #tpu.memory_space<vmem>>, vector<1x1xf32>,
    return
  }
}

</mosaic_0001>

<sc_bundles>
// kernel: kernel.5.cloned.1.call-start
scs
__scs_entry_jumppad:
0x0: {  	(pc) =	sbr.rel $0x88, $3  }
0x1: {  	(tag) =	ssettag $0x0;
	lr =	simm.s32 $0x1  }
0x2: {  	[smem:$0x3F99] =	sst lr;
	_ =	strace $0xD0000000  }
0x3: {  	_ = 	snop  }
0x4: {  	_ = 	snop  }
0x5: {  	_ = 	snop  }
0x6: {  	_ = 	snop  }
0x7: {  	_ = 	snop  }
__scs_overlays_trampoline_lowered:
0x8: {  	[smem:$0x3FA8] =	sst s0  }
0x9: {  	[smem:$0x3FA9] =	sst s1  }
0xa: {  	[smem:$0x3FAA] =	sst s2  }
0xb: {  	[smem:$0x3FAB] =	sst s3  }
0xc: {  	[smem:$0x3FAC] =	sst s4  }
0xd: {  	[smem:$0x3FAD] =	sst s5  }
0xe: {  	[smem:$0x3FAE] =	sst s6  }
0xf: {  	[smem:$0x3FAF] =	sst s7  }
0x10: {  	[smem:$0x3FB0] =	sst s8  }
0x11: {  	[smem:$0x3FB1] =	sst s9;
	s0 =	simm.s32 @!p0 $0x0  }
0x12: {  	s1 =	sld [smem:$0x3F97];
	s0 =	simm.s32 @p0 $0x1  }
0x13: {  	[smem:$0x3FB2] =	sst s0;
	s0 =	simm.s32 @!p1 $0x0  }
0x14: {  	s2 =	sld [smem:$0x3F96];
	s0 =	simm.s32 @p1 $0x1  }
0x15: {  	[smem:$0x3FB3] =	sst s0;
	s0 =	simm.s32 @!p2 $0x0  }
0x16: {  	s3 =	sld [smem:$0x3FDB];
	s0 =	simm.s32 @p2 $0x1  }
0x17: {  	s4 =	simm.s32 $0x1BF5;
	[smem:$0x3FB5] =	sst s0  }
0x18: {  	s0 =	sld [smem:$0x3F98];
	_ =	swait.ge [sflag:s4], $0x0  }
0x19: {  	s7 =	sld [smem:$0x3F99]  }
0x1a: {  	s8 =	sadd.s32 $0xFFFFE003, lr  }
0x1b: {  	s9 =	sadd.s32 $0xFFFFFEF7, lr;
	s5 =	simm.s32 $0xFFFFFFFF;
	p2 =	slt.u32 s8, $0xFFFFF086  }
0x1c: {  	p1 =	slt.u32 s9, $0xF7A;
	s5 =	simm.s32 @!p2 $0x0  }
0x1d: {  	s5 =	simm.s32 @p1 $0x1;
	p0 =	seq.s32 s7, s2  }
0x1e: {  	s7 =	smul.u32 @!p0 $0xF7A, s2;
	p2 =	seq.s32 @!p0 s5, $0x0  }
0x1f: {  	s9 =	smul.u32 $0xF7A, s1;
	s8 =	simm.s32 @!p0 $0x1BF5;
	p2 =	por !p2, p0  }
0x20: {  	[sflag:s8] =	ssyncset.s32 @!p0 $0xFFFFF086;
	s6 =	sadd.s32 @!p0 s3, s7;
	s7 =	simm.s32 @!p0 $0x108  }
0x21: {  	s3 =	sadd.s32 s3, s9;
	s6 =	sadd.s32 @!p0 $0x88, s6;
	s7 =	simm.s32 @p2 $0x1082  }
0x22: {  	[simem:s7], [sflag:s8] =	dma.local @!p0 [hbm:s6], $0xF7A  }
0x23: {  	s9 =	sor.u32 $0xD0000000, s2;
	s6 =	simm.s32 $0x108;
	_ =	swait.ge @!p0 [sflag:s8], $0x0  }
0x24: {  	s3 =	sadd.s32 $0x88, s3;
	s6 =	simm.s32 @!p1 $0x1082;
	[sflag:s4] =	ssyncset.s32 $0xFFFFF086  }
0x25: {  	[simem:s6], [sflag:s4] =	dma.local [hbm:s3], $0xF7A  }
0x26: {  	[smem:$0x3F99] =	sst s1;
	(tag) =	ssettag s2;
	_ =	strace s9  }
0x27: {  	s1 =	sld [smem:$0x3FA9]  }
0x28: {  	s2 =	sld [smem:$0x3FAA]  }
0x29: {  	s4 =	sld [smem:$0x3FAC]  }
0x2a: {  	p0 =	seq.s32 s5, $0x0;
	s5 =	sld [smem:$0x3FAD]  }
0x2b: {  	s6 =	sld [smem:$0x3FAE]  }
0x2c: {  	s7 =	sld [smem:$0x3FAF]  }
0x2d: {  	s3 =	simm.s32 $0x108;
	s8 =	sld [smem:$0x3FB0]  }
0x2e: {  	s3 =	simm.s32 @!p0 $0x1082;
	s9 =	sld [smem:$0x3FB1]  }
0x2f: {  	lr =	sadd.s32 s0, s3;
	s0 =	sld [smem:$0x3FA8]  }
0x30: {  	s3 =	sld [smem:$0x3FAB]  }
0x31: {  	[smem:$0x3FB4] =	sst s10  }
0x32: {  	s10 =	sld [smem:$0x3FB2];
	_ =	sdelay $0x3  }
0x33: {  	p0 =	seq.s32 s10, $0x1;
	s10 =	sld [smem:$0x3FB4];
	_ =	sdelay $0x3  }
0x34: {  	[smem:$0x3FB4] =	sst s10  }
0x35: {  	s10 =	sld [smem:$0x3FB3];
	_ =	sdelay $0x3  }
0x36: {  	p1 =	seq.s32 s10, $0x1;
	s10 =	sld [smem:$0x3FB4];
	_ =	sdelay $0x3  }
0x37: {  	[smem:$0x3FB4] =	sst s10  }
0x38: {  	s10 =	sld [smem:$0x3FB5]  }
0x39: {  	_ = 	snop;
	(pc) =	sbr.ind lr, $3  }
0x3a: {  	_ = 	snop  }
0x3b: {  	_ = 	snop  }
0x3c: {  	p2 =	seq.s32 s10, $0x1;
	s10 =	sld [smem:$0x3FB4]  }
0x3d: {  	_ =	shalt  }
0x3e: {  	_ =	shalt  }
0x3f: {  	_ =	shalt  }
0x40: {  	_ =	shalt  }
0x41: {  	_ =	shalt  }
0x42: {  	_ =	shalt  }
0x43: {  	_ =	shalt  }
0x44: {  	_ =	shalt  }
0x45: {  	_ =	shalt  }
0x46: {  	_ =	shalt  }
0x47: {  	_ =	shalt  }
0x48: {  	_ =	shalt  }
0x49: {  	_ =	shalt  }
0x4a: {  	_ =	shalt  }
0x4b: {  	_ =	shalt  }
0x4c: {  	_ =	shalt  }
0x4d: {  	_ =	shalt  }
0x4e: {  	_ =	shalt  }
0x4f: {  	_ =	shalt  }
0x50: {  	_ =	shalt  }
0x51: {  	_ =	shalt  }
0x52: {  	_ =	shalt  }
0x53: {  	_ =	shalt  }
0x54: {  	_ =	shalt  }
0x55: {  	_ =	shalt  }
0x56: {  	_ =	shalt  }
0x57: {  	_ =	shalt  }
0x58: {  	_ =	shalt  }
0x59: {  	_ =	shalt  }
0x5a: {  	_ =	shalt  }
0x5b: {  	_ =	shalt  }
0x5c: {  	_ =	shalt  }
0x5d: {  	_ =	shalt  }
0x5e: {  	_ =	shalt  }
0x5f: {  	_ =	shalt  }
0x60: {  	_ =	shalt  }
0x61: {  	_ =	shalt  }
0x62: {  	_ =	shalt  }
0x63: {  	_ =	shalt  }
0x64: {  	_ =	shalt  }
0x65: {  	_ =	shalt  }
0x66: {  	_ =	shalt  }
0x67: {  	_ =	shalt  }
0x68: {  	_ =	shalt  }
0x69: {  	_ =	shalt  }
0x6a: {  	_ =	shalt  }
0x6b: {  	_ =	shalt  }
0x6c: {  	_ =	shalt  }
0x6d: {  	_ =	shalt  }
0x6e: {  	_ =	shalt  }
0x6f: {  	_ =	shalt  }
0x70: {  	_ =	shalt  }
0x71: {  	_ =	shalt  }
0x72: {  	_ =	shalt  }
0x73: {  	_ =	shalt  }
0x74: {  	_ =	shalt  }
0x75: {  	_ =	shalt  }
0x76: {  	_ =	shalt  }
0x77: {  	_ =	shalt  }
0x78: {  	_ =	shalt  }
0x79: {  	_ =	shalt  }
0x7a: {  	_ =	shalt  }
0x7b: {  	_ =	shalt  }
0x7c: {  	_ =	shalt  }
0x7d: {  	_ =	shalt  }
0x7e: {  	_ =	shalt  }
0x7f: {  	_ =	shalt  }
0x80: {  	_ =	shalt  }
0x81: {  	_ =	shalt  }
0x82: {  	_ =	shalt  }
0x83: {  	_ =	shalt  }
0x84: {  	_ =	shalt  }
0x85: {  	_ =	shalt  }
0x86: {  	_ =	shalt  }
0x87: {  	_ =	shalt  }
.Lfunc_end0:
.L_simem_size_0:
called_computation_lowered:
.L_overlay_start_0:
0x88: {  	s2 =	sld [smem:$0x3FD9]  }
0x89: {  	s3 =	sld [smem:$0x3FFE];
	_ =	sdelay $0x1  }
0x8a: {  	s1 =	srdreg.scid  }
0x8b: {  	s0 =	sand.u32 $0x1, s1  }
0x8c: {  	s14 =	sshll.u32 s0, $0xA;
	s2 =	sadd.s32 s3, s2  }
0x8d: {  	s2 =	sadd.s32 s2, s14  }
0x8e: {  	[smem:$0x3FC0] =	sst s2  }
0x8f: {  	_ = 	snop  }
0x90: {  	s2 =	sld [smem:$0x3FD0];
	_ =	sdelay $0x2  }
0x91: {  	s4 =	simm.s32 $0xA;
	s5 =	simm.s32 $0x10;
	s15 =	sld [smem:$0x3FC3]  }
0x92: {  	[smem:s5], [sflag:s4] =	dma.local [hbm:s2], $0x1  }
0x93: {  	_ =	swait.eq [sflag:s4], $0x1  }
0x94: {  	[sflag:s4] =	ssyncset.done $0x0  }
0x95: {  	[sflag:s4] =	ssyncadd.s32 $0xFFFFFFFF  }
0x96: {  	s16 =	sld [smem:$0x12];
	(tm) =	ssettm $0x1  }
0x97: {  	s17 =	sld [smem:$0x3FFB];
	_ =	sdelay $0x3  }
0x98: {  	_ =	strace s17  }
0x99: {  	s4 =	sld [smem:$0x3FFC];
	_ =	sdelay $0x3  }
0x9a: {  	_ =	strace s4  }
0x9b: {  	s4 =	sld [smem:$0x3FFD];
	_ =	sdelay $0x3  }
0x9c: {  	_ =	strace s4  }
0x9d: {  	_ =	strace $0x8FFFFFFF  }
0x9e: {  	s18 =	sld [smem:$0x3FDB];
	_ =	sdelay $0x1  }
0x9f: {  	s19 =	simm.s32 $_scs_section_size  }
0xa0: {  	s6 =	simm.s32 $_size__tile_overlayer_lowered;
	s7 =	simm.s32 $_tile_overlayer_lowered  }
0xa1: {  	s22 =	simm.s32 $0x1BFF;
	s21 =	sshll.u32 s7, $0x1;
	s4 =	sadd.s32 s19, s18  }
0xa2: {  	s8 =	simm.s32 $0x0;
	s20 =	sshll.u32 s6, $0x1;
	s6 =	sadd.s32 s21, s4  }
0xa3: {  	[timem:s8], [sflag:s22] =	dma.local [hbm:s6], s20  }
0xa4: {  	_ =	swait.ge [sflag:s22], s20  }
0xa5: {  	s5 =	ssub.s32 $0x0, s20;
	[sflag:s22] =	ssyncset.done $0x0  }
0xa6: {  	[sflag:s22] =	ssyncadd.s32 s5;
	_ =	sdelay $0x1  }
0xa7: {  	s23 =	simm.s32 $0x1B8B  }
0xa8: {  	_ =	swait.ge [sflag:s23], $0x1  }
0xa9: {  	[sflag:s23] =	ssyncset.done $0x0  }
0xaa: {  	s25 =	simm.s32 $0x1B8E;
	s24 =	sld [smem:$0x3FFE];
	[sflag:s23] =	ssyncadd.s32 $0xFFFFFFFF  }
0xab: {  	s26 =	simm.s32 $execute0_lowered;
	[smem:$0x3FD2] =	sst s25  }
0xac: {  	s6 =	sshll.u32 s26, $0x1;
	_ =	strace $0x80000046;
	[dreg:$0x1] =	wrdreg $0xFFFFFFFF  }
0xad: {  	s28 =	simm.s32 $_size_execute0_lowered;
	s4 =	sadd.s32 s4, s6;
	[dreg:$0x0] =	wrdreg $0x0  }
0xae: {  	s6 =	sshll.u32 s28, $0x1;
	[dreg:$0x2] =	wrdreg s4  }
0xaf: {  	[dreg:$0x3] =	wrdreg s6  }
0xb0: {  	[dreg:$0x4] =	wrdreg $0xC0  }
0xb1: {  	_ =	task [dreg:s8], $0x5FFFF  }
0xb2: {  	[dreg:$0x1] =	wrdreg $0xFFFFFFFF  }
0xb3: {  	[dreg:$0x0] =	wrdreg $0x60  }
0xb4: {  	[dreg:$0x2] =	wrdreg s24  }
0xb5: {  	[dreg:$0x3] =	wrdreg s15  }
0xb6: {  	[dreg:$0x4] =	wrdreg s16  }
0xb7: {  	[dreg:$0x5] =	wrdreg $0x9  }
0xb8: {  	_ =	task.clear_ibuf [dreg:s8], $0x6FFFF;
	_ =	strace $0x90000046  }
0xb9: {  	s29 =	simm.s32 $0x9;
	_ =	strace $0x80000048  }
0xba: {  	_ =	swait.ge [sflag:s29], $0x1  }
0xbb: {  	[sflag:s29] =	ssyncadd.s32 $0xFFFFFFFF  }
0xbc: {  	_ =	strace $0x90000048  }
0xbd: {  	_ =	sfence  }
0xbe: {  	s30 =	sld [smem:$0x0];
	_ =	sdelay $0x2  }
0xbf: {  	s31 =	sshll.u32 s1, $0xD;
	s1 =	sshrl.u32 s1, $0x2  }
0xc0: {  	s3 =	sand.u32 $0x4000, s31;
	s1 =	sadd.s32 s1, s30  }
0xc1: {  	s0 =	sor.u32 s3, s0;
	s1 =	sshll.u32 s1, $0x11  }
0xc2: {  	s0 =	sor.u32 s1, s0  }
0xc3: {  	s0 =	sadd.s32 $0x8F2B, s0  }
0xc4: {  	[sflag:s0] =	ssyncadd.remote.s32 $0x1  }
0xc5: {  	_ =	sfence.sel $0xFFFF  }
0xc6: {  	[dreg:$0x0] =	wrdreg $0xFFFFFFFF;
	(pc) =	sbr.abs _section_cstart, $3  }
0xc7: {  	[dreg:$0x1] =	wrdreg $0xFFFFFFFF  }
0xc8: {  	_ =	task.clear_ibuf [dreg:s8], $0x2FFFF;
	_ =	strace $0x9FFFFFFF  }
0xc9: {  	(tm) =	ssettm $0x7FFFFFFF  }
tec
execute0_lowered:
.L_overlay_start_1:
0x0: {  	(tag) =	ssettag $0x1  }
0x1: {  	v0 =	vimm.f32 $1.500000000e+01;
	vm0 =	vcmask $0x300  }
0x2: {  	v0 =	vsel vm0, $0x0, v0;
	vm0 =	vcmask $0x704  }
0x3: {  	v0 =	vsel vm0, $0x3F800000, v0;
	vm0 =	vcmask $0xB08  }
0x4: {  	v0 =	vsel vm0, $0x40000000, v0;
	vm0 =	vcmask $0xF0C  }
0x5: {  	s10 =	rddreg [dreg:$0x0];
	vm1 =	vcmask $0x1310;
	v0 =	vsel vm0, $0x40400000, v0  }
0x6: {  	s1 =	srdreg.scid;
	s11 =	rddreg [dreg:$0x1];
	v0 =	vsel vm1, $0x40800000, v0;
	vm1 =	vcmask $0x1714  }
0x7: {  	s0 =	stileid.u32;
	s2 =	rddreg [dreg:$0x2];
	s3 =	simm.s32 $0x0;
	v0 =	vsel vm1, $0x40A00000, v0;
	vm1 =	vcmask $0x1B18  }
0x8: {  	s17 =	simm.s32 $0x0;
	s4 =	sand.u32 $0x1, s1;
	s1 =	rddreg [dreg:$0x3];
	v0 =	vsel vm1, $0x40C00000, v0;
	vm1 =	vcmask $0x1F1C  }
0x9: {  	s31 =	sshll.u32 s0, $0x1;
	[smem:$0x7FF] =	sst s3;
	s9 =	sadd.s32 $0x722D, s10;
	v0 =	vsel vm1, $0x40E00000, v0;
	vm1 =	vcmask $0x2320  }
0xa: {  	s14 =	sor.u32 s4, s31;
	_ =	strace $0x80000047;
	s4 =	ssub.s32 $0x2, s4;
	v0 =	vsel vm1, $0x41000000, v0;
	vm1 =	vcmask $0x2724  }
0xb: {  	s12 =	smul.u32 $0xC38, s14;
	s5 =	sshll.u32 s14, $0x4;
	s8 =	sshrl.u32 s4, $0x1;
	v0 =	vsel vm1, $0x41100000, v0;
	vm1 =	vcmask $0x2B28  }
0xc: {  	p0 =	seq.s32 s14, $0x1F;
	s14 =	simm.s32 $0x3E00;
	s13 =	sadd.s32 s5, s10;
	v0 =	vsel vm1, $0x41200000, v0;
	vm1 =	vcmask $0x2F2C  }
0xd: {  	v1 =	vlaneseq.u32;
	s15 =	ssub.s32 s4, s8;
	s8 =	sadd.s32 $0x4159, s10;
	s7 =	sshrl.u32 s12, $0x3;
	v0 =	vsel vm1, $0x41300000, v0;
	vm1 =	vcmask $0x3330  }
0xe: {  	s16 =	scvt.s32.f32 s12;
	v1 =	vadd.s32 s12, v1;
	s12 =	sadd.s32 $0xA600, s13;
	s13 =	smax.u32 s15, $0x1;
	v0 =	vsel vm1, $0x41400000, v0;
	vm1 =	vcmask $0x3734  }
0xf: {  	vm2 =	vmmov $0xff;
	s15 =	simm.s32 $0x2;
	s6 =	sadd.s32 s7, s10;
	s7 =	sadd.s32 s11, s7;
	v0 =	vsel vm1, $0x41500000, v0;
	vm1 =	vcmask $0x3B38  }
0x10: {  	vm3 =	vcmask $0x3F0C;
	vm4 =	vcmask $0x3F08;
	s10 =	sadd.s32 $0xA301, s10;
	s11 =	sadd.s32 $0x2F59, s11;
	s4 =	sadd.s32 $0x1200, s6;
	v0 =	vsel vm1, $0x41600000, v0  }
0x11: {  	vm5 =	vmmov $0x1;
	s5 =	sadd.s32 $0x42D4, s6;
	s6 =	sadd.s32 $0x73A8, s6;
	vm1 =	vlt.u32 v1, $0x2;
	v0 =	vadd.f32 s16, v0;
	s16 =	simm.s32 $0x3E80  }
.LBB2_1:
0x12: {  	s18 =	simm.s32 @p0 $0x0  }
0x13: {  	[tilespmem:s18], [sflag:$0x1] =	stream.linear.gather @p0 [hbm4b:s8+s18], $0xBD8, $0x38;
	[tilespmem:$0x3F00] =	vst v63  }
0x14: {  	s19 =	simm.s32 @p0 $0xC40  }
0x15: {  	[tilespmem:s19], [sflag:$0x1] =	stream.linear.gather @p0 [hbm4b:s9+s18], $0xBD8, $0x38;
	[tilespmem:$0x3F00] =	vst v63  }
0x16: {  	s19 =	simm.s32 @p0 $0x1880  }
0x17: {  	[tilespmem:s19], [sflag:$0x1] =	stream.linear.gather @p0 [hbm4b:s10+s18], $0xBD8, $0x38;
	[tilespmem:$0x3F00] =	vst v63  }
0x18: {  	s19 =	simm.s32 @p0 $0x2500  }
0x19: {  	[tilespmem:s19], [sflag:$0x1] =	stream.linear.gather @p0 [hbm4b:s11+s18], $0xBD8, $0x38;
	[tilespmem:$0x3F00] =	vst v63  }
0x1a: {  	s18 =	simm.s32 @!p0 $0x0  }
0x1b: {  	[tilespmem:s18], [sflag:$0x1] =	stream.linear.gather @!p0 [hbm4b:s4+s18], $0xC38, $0x38;
	[tilespmem:$0x3F00] =	vst v63  }
0x1c: {  	s19 =	simm.s32 @!p0 $0xC40  }
0x1d: {  	[tilespmem:s19], [sflag:$0x1] =	stream.linear.gather @!p0 [hbm4b:s5+s18], $0xC38, $0x38;
	[tilespmem:$0x3F00] =	vst v63  }
0x1e: {  	s19 =	simm.s32 @!p0 $0x1880  }
0x1f: {  	[tilespmem:s19], [sflag:$0x1] =	stream.linear.gather @!p0 [hbm4b:s6+s18], $0xC38, $0x38;
	[tilespmem:$0x3F00] =	vst v63  }
0x20: {  	s19 =	simm.s32 @!p0 $0x2500  }
0x21: {  	[tilespmem:s19], [sflag:$0x1] =	stream.linear.gather @!p0 [hbm4b:s7+s18], $0xC38, $0x38;
	[tilespmem:$0x3F00] =	vst v63  }
0x22: {  	_ = 	snop  }
0x23: {  	[tilespmem:s14], [sflag:$0x2] =	stream.linear.gather [hbm4b:s2+s3], $0x80, $0x38;
	[tilespmem:$0x3F00] =	vst v63  }
0x24: {  	_ =	swait.ge [sflag:s15], $0x80  }
0x25: {  	[sflag:s15] =	ssyncset.done $0x0  }
0x26: {  	[sflag:s15] =	ssyncadd.s32 $0xFFFFFF80  }
0x27: {  	v2 =	vld [tilespmem:$0x3E00]  }
0x28: {  	v3 =	vld [tilespmem:$0x3E10]  }
0x29: {  	s18 =	simm.s32 @p0 $0x1;
	v1 =	vld [tilespmem:$0x3E20]  }
0x2a: {  	v4 =	vld [tilespmem:$0x3E30];
	_ =	swait.ge @p0 [sflag:s18], $0xBD8  }
0x2b: {  	[sflag:s18] =	ssyncset.done @p0 $0x0  }
0x2c: {  	[sflag:s18] =	ssyncadd.s32 @p0 $0xFFFFF428  }
0x2d: {  	_ =	swait.ge @p0 [sflag:s18], $0xBD8  }
0x2e: {  	[sflag:s18] =	ssyncset.done @p0 $0x0  }
0x2f: {  	[sflag:s18] =	ssyncadd.s32 @p0 $0xFFFFF428  }
0x30: {  	_ =	swait.ge @p0 [sflag:s18], $0xBD8  }
0x31: {  	[sflag:s18] =	ssyncset.done @p0 $0x0  }
0x32: {  	[sflag:s18] =	ssyncadd.s32 @p0 $0xFFFFF428  }
0x33: {  	_ =	swait.ge @p0 [sflag:s18], $0xBD8  }
0x34: {  	[sflag:s18] =	ssyncset.done @p0 $0x0  }
0x35: {  	[sflag:s18] =	ssyncadd.s32 @p0 $0xFFFFF428;
	s18 =	simm.s32 @!p0 $0x1  }
0x36: {  	_ =	swait.ge @!p0 [sflag:s18], $0xC38  }
0x37: {  	[sflag:s18] =	ssyncset.done @!p0 $0x0  }
0x38: {  	[sflag:s18] =	ssyncadd.s32 @!p0 $0xFFFFF3C8  }
0x39: {  	_ =	swait.ge @!p0 [sflag:s18], $0xC38  }
0x3a: {  	[sflag:s18] =	ssyncset.done @!p0 $0x0  }
0x3b: {  	[sflag:s18] =	ssyncadd.s32 @!p0 $0xFFFFF3C8  }
0x3c: {  	_ =	swait.ge @!p0 [sflag:s18], $0xC38  }
0x3d: {  	[sflag:s18] =	ssyncset.done @!p0 $0x0  }
0x3e: {  	[sflag:s18] =	ssyncadd.s32 @!p0 $0xFFFFF3C8  }
0x3f: {  	_ =	swait.ge @!p0 [sflag:s18], $0xC38  }
0x40: {  	[sflag:s18] =	ssyncset.done @!p0 $0x0  }
0x41: {  	[sflag:s18] =	ssyncadd.s32 @!p0 $0xFFFFF3C8  }
0x42: {  	v5 =	vld [tilespmem:$0x0]  }
0x43: {  	v6 =	vld [tilespmem:$0xC40];
	_ =	sdelay $0x1  }
0x44: {  	v7 =	vld [tilespmem:$0x1880];
	_ =	sdelay $0x2  }
0x45: {  	v5 =	vmul.f32 v5, v2;
	v6 =	vmul.f32 v6, v3  }
0x46: {  	v8 =	vld [tilespmem:$0x2500]  }
0x47: {  	v5 =	vadd.f32 v6, v5;
	v6 =	vmul.f32 v7, v1;
	_ =	sdelay $0x1  }
0x48: {  	v5 =	vadd.f32 v6, v5;
	_ =	sdelay $0x1  }
0x49: {  	v5 =	vadd.f32 v5, v8;
	_ =	sdelay $0x1  }
0x4a: {  	v4 =	vmul.f32 v5, v4;
	_ =	sdelay $0x1  }
0x4b: {  	v4 =	vsel vm1, v4, v5  }
0x4c: {  	s29 =	simm.s32 $0xC50;
	[tilespmem:$0x3180] =	vst v4  }
0x4d: {  	v5 =	vld [tilespmem:s29+$0xFFFFF3C0]  }
0x4e: {  	s30 =	simm.s32 $0x10;
	v6 =	vld [tilespmem:s29+$0x0]  }
0x4f: {  	s31 =	sand.u32 $0xFFFFFFF0, s30  }
0x50: {  	v7 =	vld [tilespmem:s31+$0x1880];
	_ =	sdelay $0x2  }
0x51: {  	s19 =	simm.s32 $0x2510;
	s18 =	simm.s32 @!p0 $0xC3;
	v5 =	vmul.f32 v5, v2;
	v6 =	vmul.f32 v6, v3  }
0x52: {  	s18 =	simm.s32 @p0 $0xBD;
	v63 =	vld [tilespmem:s19+$0x0]  }
0x53: {  	s18 =	sshll.u32 s18, $0x4;
	v5 =	vadd.f32 v6, v5;
	v6 =	vmul.f32 v7, v1  }
0x54: {  	p1 =	sne.s32 s18, $0x20  }
.Ltmp0:
0x55: {  	v5 =	vadd.f32 v6, v5;
	(pc) =	sbr.rel @!p1 .LBB2_3-.Ltmp0, $4  }
0x56: {  	_ = 	snop  }
0x57: {  	v5 =	vadd.f32 v5, v63  }
0x58: {  	s20 =	simm.s32 $0x3190  }
0x59: {  	s21 =	simm.s32 $0x20;
	s22 =	simm.s32 $0xC60;
	[tilespmem:s20+$0x0] =	vst v5;
	v4 =	vmax.f32 v4, v5  }
.LBB2_2:
0x5a: {  	v5 =	vld [tilespmem:s22+$0xFFFFF3C0];
	s23 =	smov.u32 s21  }
0x5b: {  	s21 =	sadd.s32 $0x10, s21;
	v6 =	vld [tilespmem:s22+$0x0]  }
0x5c: {  	s23 =	sand.u32 $0xFFFFFFF0, s23;
	p1 =	sne.s32 s18, s21  }
0x5d: {  	v7 =	vld [tilespmem:s23+$0x1880];
	_ =	sdelay $0x2  }
0x5e: {  	s19 =	sadd.s32 $0x10, s19;
	v5 =	vmul.f32 v5, v2;
	v6 =	vmul.f32 v6, v3  }
0x5f: {  	v8 =	vld [tilespmem:s19+$0x0]  }
0x60: {  	v5 =	vadd.f32 v6, v5;
	v6 =	vmul.f32 v7, v1;
	_ =	sdelay $0x1  }
.Ltmp1:
0x61: {  	v5 =	vadd.f32 v6, v5;
	(pc) =	sbr.rel @p1 .LBB2_2-.Ltmp1, $4  }
0x62: {  	_ = 	snop  }
0x63: {  	v5 =	vadd.f32 v5, v8  }
0x64: {  	s20 =	sadd.s32 $0x10, s20  }
0x65: {  	s22 =	sadd.s32 $0x10, s22;
	[tilespmem:s20+$0x0] =	vst v5;
	v4 =	vmax.f32 v4, v5  }
.LBB2_3:
0x66: {  	v5 =	vld [tilespmem:s18+$0x0];
	s19 =	sadd.s32 $0x1880, s18  }
0x67: {  	s20 =	sand.u32 $0x70, s18;
	v6 =	vld [tilespmem:s18+$0xC40];
	s19 =	sand.u32 $0x2F80, s19  }
0x68: {  	s19 =	sor.u32 s20, s19  }
0x69: {  	v7 =	vld [tilespmem:s19+$0x0];
	_ =	sdelay $0x2  }
0x6a: {  	v2 =	vmul.f32 v5, v2;
	v3 =	vmul.f32 v6, v3  }
0x6b: {  	v5 =	vld [tilespmem:s18+$0x2500]  }
0x6c: {  	v2 =	vadd.f32 v3, v2;
	v1 =	vmul.f32 v7, v1;
	_ =	sdelay $0x1  }
0x6d: {  	v1 =	vadd.f32 v1, v2;
	_ =	sdelay $0x1  }
0x6e: {  	v1 =	vadd.f32 v1, v5;
	_ =	sdelay $0x1  }
0x6f: {  	v1 =	vnsel vm2, $0xF149F2CA, v1  }
0x70: {  	v2 =	vmax.f32 v4, v1  }
0x71: {  	(xrf0) =	vmax.scan.msk.f32 $0xffff, v2  }
0x72: {  	s19 =	sadd.s32 $0x10, s18  }
0x73: {  	p4 =	sne.s32 s19, $0x10  }
.Ltmp2:
0x74: {  	_ = 	snop;
	(pc) =	sbr.rel @!p4 .LBB2_4-.Ltmp2, $4  }
0x75: {  	_ = 	snop  }
0x76: {  	s21 =	simm.s32 $0x0  }
0x77: {  	s22 =	simm.s32 $0x3180;
	p1 =	por $0x0, $0x0;
	p2 =	por $0x0, $0x0;
	[tilespmem:s18+$0x3180] =	vst v1;
	v1, _, _ =	vpop (xrf0)  }
0x78: {  	p3 =	por $0x0, $0x0;
	s20 =	simm.s32 $0x10;
	v3 =	vimm.f32 $0.0e+00;
	s18 =	scvt.s32.f32 s21;
	v2 =	vimm.f32 $1.000000000e+09;
	v4 =	vld [tilespmem:s22+$0x0];
	v1 =	vbroadcast v1, $0xF  }
0x79: {  	_ = 	snop  }
0x7a: {  	p4 =	sne.s32 s19, $0x20  }
.Ltmp3:
0x7b: {  	_ = 	snop;
	(pc) =	sbr.rel @!p4 .LBB2_6-.Ltmp3, $4  }
0x7c: {  	v5 =	vadd.f32 s18, v0  }
0x7d: {  	v6 =	vsub.f32 v4, v1;
	vm6 =	veq.f32 v4, v1  }
0x7e: {  	s31 =	simm.s32 $0x3190;
	v8 =	vnsel vm6, $0x4E6E6B28, v5  }
0x7f: {  	s21 =	simm.s32 $0x20;
	p1 =	por $0x1, $0x1;
	s18 =	scvt.s32.f32 s20;
	v5 =	vld [tilespmem:s31+$0x0];
	v7 =	vmul.f32 $1.442695020e+00, v6;
	v2 =	vmin.f32 v2, v8  }
0x80: {  	_ = 	snop  }
0x81: {  	p4 =	sne.s32 s19, $0x30  }
.Ltmp4:
0x82: {  	_ = 	snop;
	(pc) =	sbr.rel @!p4 .LBB2_8-.Ltmp4, $4  }
0x83: {  	v6 =	vadd.f32 s18, v0  }
0x84: {  	v8 =	vsub.f32 v5, v1;
	vm6 =	veq.f32 v5, v1  }
0x85: {  	s31 =	simm.s32 $0x31A0;
	v6 =	vnsel vm6, $0x4E6E6B28, v6  }
0x86: {  	s22 =	simm.s32 $0x30;
	p2 =	por $0x1, $0x1;
	(erf) = vpow2.f32 v7;
	v10 =	vld [tilespmem:s31+$0x0];
	s18 =	scvt.s32.f32 s21;
	v7 =	vmul.f32 $1.442695020e+00, v8;
	v2 =	vmin.f32 v2, v6  }
0x87: {  	_ =	sdelay $0x3  }
0x88: {  	p4 =	sne.s32 s19, $0x40  }
.Ltmp5:
0x89: {  	v6 =	vadd.f32 s18, v0;
	(erf) = vpow2.f32 v7;
	(pc) =	sbr.rel @!p4 .LBB2_10-.Ltmp5, $4  }
0x8a: {  	v8 =	vsub.f32 v10, v1;
	vm6 =	veq.f32 v10, v1  }
0x8b: {  	s20 =	simm.s32 $0x31B0;
	v12 =	vnsel vm6, $0x4E6E6B28, v6  }
0x8c: {  	v6 =	vld [tilespmem:s20+$0x0];
	v7 =	vmul.f32 $1.442695020e+00, v8;
	v2 =	vmin.f32 v2, v12;
	v9 =	vpop (erf)  }
0x8d: {  	s21 =	simm.s32 $0x40;
	p3 =	por $0x1, $0x1;
	s18 =	scvt.s32.f32 s22;
	v8 =	vadd.f32 v9, v3;
	v11 =	vmul.f32 v9, v4;
	v9 =	vimm.f32 $0.0e+00  }
.LBB2_11:
0x8e: {  	s22 =	smov.u32 s21;
	s21 =	sadd.s32 $0x10, s21  }
0x8f: {  	(erf) = vpow2.f32 v7;
	v9 =	vadd.f32 v11, v9;
	p4 =	sne.s32 s19, s21  }
.Ltmp6:
0x90: {  	v7 =	vadd.f32 s18, v0;
	(pc) =	sbr.rel @p4 .LBB2_11-.Ltmp6, $4  }
0x91: {  	s20 =	sadd.s32 $0x10, s20;
	v11 =	vsub.f32 v6, v1;
	vm6 =	veq.f32 v6, v1;
	v12 =	vmov v6  }
0x92: {  	v6 =	vld [tilespmem:s20+$0x0];
	v13 =	vnsel vm6, $0x4E6E6B28, v7;
	v14 =	vpop (erf)  }
0x93: {  	v7 =	vmul.f32 $1.442695020e+00, v11;
	v8 =	vadd.f32 v14, v8;
	v11 =	vmul.f32 v14, v5;
	v5 =	vmovc v10;
	v10 =	vmovc v12  }
0x94: {  	s18 =	scvt.s32.f32 s22;
	v2 =	vmin.f32 v2, v13  }
0x95: {  	v12 =	vmov v5;
	v5 =	vmov v10  }
.LBB2_13:
0x96: {  	_ = 	snop  }
0x97: {  	(erf) = vpow2.f32 @p1 v7;
	v60 =	vsub.f32 v6, v1;
	_ =	sdelay $0x1  }
0x98: {  	v7 =	vmul.f32 $1.442695020e+00, v60;
	_ =	sdelay $0x1  }
0x99: {  	(erf) = vpow2.f32 v7;
	_ =	sdelay $0x1  }
0x9a: {  	v7 =	vpop @p2 (erf)  }
0x9b: {  	v9 =	vadd.f32 @p3 v11, v9;
	v10 =	vmul.f32 @p2 v7, v12  }
0x9c: {  	v4 =	vpsel p1, v5, v4  }
0x9d: {  	v7 =	vadd.f32 @p2 v7, v8;
	v8 =	vpsel p3, v9, v3;
	v5 =	vpop @p1 (erf);
	v9 =	vpsel p2, v10, v0  }
0x9e: {  	v4 =	vmul.f32 @p1 v5, v4;
	v8 =	vadd.f32 @p2 v9, v8  }
0x9f: {  	v7 =	vpsel p2, v7, v3  }
0xa0: {  	v5 =	vadd.f32 @p1 v5, v7;
	v4 =	vpsel p1, v4, v0;
	v7 =	vpsel p2, v8, v3  }
0xa1: {  	v4 =	vadd.f32 @p1 v4, v7;
	v61 =	vpop (erf)  }
0xa2: {  	v5 =	vpsel p1, v5, v3;
	v62 =	vmul.f32 v61, v6  }
0xa3: {  	v5 =	vadd.f32 v61, v5;
	v3 =	vpsel p1, v4, v3  }
0xa4: {  	v3 =	vadd.f32 v62, v3  }
0xa5: {  	(xrf2) =	vadd.scan.msk.f32 $0xffff, v5  }
0xa6: {  	(xrf2) =	vadd.scan.msk.f32 $0xffff, v3;
	_ =	sdelay $0x1  }
0xa7: {  	v3 =	vadd.f32 s18, v0  }
0xa8: {  	vm6 =	veq.f32 v6, v1  }
0xa9: {  	v3 =	vnsel vm6, $0x4E6E6B28, v3  }
0xaa: {  	v2 =	vmin.f32 v2, v3  }
0xab: {  	(xrf0) =	vmin.scan.msk.f32 $0xffff, v2;
	_ =	sdelay $0x2  }
0xac: {  	v2, _, _ =	vpop (xrf2)  }
0xad: {  	v3, _, _ =	vpop (xrf2)  }
0xae: {  	v3 =	vbroadcast v3, $0xF  }
0xaf: {  	v2 =	vbroadcast v2, $0xF;
	v63, _, _ =	vpop (xrf0)  }
0xb0: {  	v4 =	vbroadcast v63, $0xF;
	v3 =	vnsel vm0, $0x0, v3  }
0xb1: {  	v2 =	vsel vm3, v3, v2  }
0xb2: {  	v2 =	vsel vm4, v2, v4  }
0xb3: {  	s17 =	sadd.s32 $0x1, s17;
	v1 =	vsel vm5, v1, v2  }
0xb4: {  	p1 =	sne.s32 s17, s13;
	[tilespmem:$0x3E80] =	vst v1  }
0xb5: {  	[hbm4b:s12+s3] =	stream.linear.scatter [tilespmem:s16], [sflag:$0x2], $0x80, $0x38;
	[tilespmem:$0x3F00] =	vst v63  }
.Ltmp7:
0xb6: {  	_ = 	snop;
	(pc) =	sbr.rel @p1 .LBB2_1-.Ltmp7, $4  }
.Ltmp8:
0xb7: {  	_ = 	snop;
	(pc) =	sbr.rel @!p1 .LBB2_14-.Ltmp8, $4  }
0xb8: {  	_ =	swait.ge [sflag:s15], $0x80  }
0xb9: {  	[sflag:s15] =	ssyncset.done $0x0  }
0xba: {  	[sflag:s15] =	ssyncadd.s32 $0xFFFFFF80  }
0xbb: {  	_ = 	snop  }
.LBB2_4:
.Ltmp9:
0xbc: {  	_ = 	snop;
	(pc) =	sbr.rel .LBB2_13-.Ltmp9, $2  }
0xbd: {  	_ =	sdelay $0x2  }
0xbe: {  	v9 =	vimm.f32 $0.0e+00;
	v8 =	vimm.f32 $0.0e+00;
	v6 =	vmov v4  }
.LBB2_6:
.Ltmp10:
0xbf: {  	_ = 	snop;
	(pc) =	sbr.rel .LBB2_13-.Ltmp10, $2  }
0xc0: {  	_ =	sdelay $0x2  }
0xc1: {  	v9 =	vimm.f32 $0.0e+00;
	v8 =	vimm.f32 $0.0e+00;
	v6 =	vmovc v5;
	v5 =	vmov v4  }
.LBB2_8:
.Ltmp11:
0xc2: {  	_ = 	snop;
	(pc) =	sbr.rel .LBB2_13-.Ltmp11, $2  }
0xc3: {  	_ =	sdelay $0x2  }
0xc4: {  	v9 =	vimm.f32 $0.0e+00;
	v8 =	vimm.f32 $0.0e+00;
	v12 =	vmovc v4;
	v6 =	vmov v10  }
.LBB2_10:
.Ltmp12:
0xc5: {  	(pc) =	sbr.rel .LBB2_13-.Ltmp12, $2  }
0xc6: {  	_ =	sdelay $0x2  }
0xc7: {  	v12 =	vmov v5;
	v9 =	vimm.f32 $0.0e+00;
	v5 =	vmov v10  }
.LBB2_14:
0xc8: {  	_ =	sfence.sel $0x180000  }
0xc9: {  	[bflag:$0x0] =	sbarrier.arrive $0xFFFF  }
0xca: {  	p0 =	sne.s32 s0, $0x0;
	_ =	strace $0x90000047  }
0xcb: {  	s0 =	sadd.s32 @!p0 $0x100000, s1;
	[bflag:$0x2] =	sbarrier.arrive $0xFFFF  }
0xcc: {  	[sflag:s0] =	ssyncadd.tile.s32 @!p0 $0x1;
	_ =	shalt  }
.Lfunc_end2:
_tile_overlayer_lowered:
.L_overlay_start_2:
0xcd: {  	(tag) =	ssettag $0x2  }
0xce: {  	s0 =	rddreg [dreg:$0x0];
	s2 =	stileid.u32  }
0xcf: {  	s1 =	rddreg [dreg:$0x1];
	p0 =	sne.s32 s2, $0x0  }
0xd0: {  	s3 =	rddreg [dreg:$0x2];
	[bflag:$0x3] =	sbarrier.arrive $0xFFFF;
	s2 =	simm.s32 @!p0 $0x1C02  }
0xd1: {  	[timem:s3], [sflag:s2] =	dma.local @!p0 [hbm:s0], s1  }
0xd2: {  	s0 =	simm.s32 @!p0 $0x2  }
0xd3: {  	_ =	swait.ge @!p0 [sflag:s0], s1  }
0xd4: {  	s1 =	ssub.s32 @!p0 $0x0, s1;
	[sflag:s0] =	ssyncset.done @!p0 $0x0  }
0xd5: {  	[sflag:s0] =	ssyncadd.s32 @!p0 s1  }
0xd6: {  	[bflag:$0x3] =	sbarrier.arrive $0xFFFF  }
0xd7: {  	_ =	shalt  }

</sc_bundles>
